<compile_context>
chip_gen: v7x
topology: tpu7x:2x2x1
jax: 0.10.2.dev20260603
libtpu: 0.0.44.dev20260713+nightly
codegen_flags: <defaults>
</compile_context>

<pallas_src>
import functools

import jax
import jax.numpy as jnp
from jax import lax
from jax.experimental import pallas as pl
from jax.experimental.pallas import tpu as pltpu
from jax.experimental.pallas import tpu_sc as plsc

B = 1024
D = 128
N = 100000
K = 8
NEG = -1e30
NC_CHUNK = 2000


def _normalize(x, axis=-1, eps=1e-12):
    n = jnp.linalg.norm(x, axis=axis, keepdims=True)
    return x / jnp.clip(n, eps, None)


def _project(qf, W1, b1, W2, b2):
    qg = _normalize(jnp.mean(qf, axis=(2, 3)), axis=-1)
    h = jax.nn.gelu(qg @ W1.T + b1, approximate=False)
    return _normalize(h @ W2.T + b2, axis=-1)


def _topk_body(pq_ref, bank_ref, val_ref, idx_ref, sims_ref, mrow_ref):
    j = pl.program_id(0)

    @pl.when(j == 0)
    def _():
        val_ref[...] = jnp.full((K, B), NEG, jnp.float32)
        idx_ref[...] = jnp.zeros((K, B), jnp.int32)

    sims = lax.dot_general(
        bank_ref[...], pq_ref[...], (((1,), (1,)), ((), ())),
        preferred_element_type=jnp.float32)
    sims_ref[...] = sims
    mrow_ref[...] = jnp.max(sims, axis=0, keepdims=True)

    k8 = lax.broadcasted_iota(jnp.int32, (K, B), 0)
    for _ in range(K):
        go = jnp.any(mrow_ref[...] > val_ref[K - 1:K, :])

        @pl.when(go)
        def _():
            s = sims_ref[...]
            m = mrow_ref[...]
            row = lax.broadcasted_iota(jnp.int32, (NC_CHUNK, B), 0)
            p = jnp.min(jnp.where(s == m, row, NC_CHUNK), axis=0,
                        keepdims=True)
            s = jnp.where(row == p, NEG, s)
            sims_ref[...] = s
            mrow_ref[...] = jnp.max(s, axis=0, keepdims=True)

            rv = val_ref[...]
            ri = idx_ref[...]
            gi = p + j * NC_CHUNK
            pos = jnp.sum((rv >= m).astype(jnp.int32), axis=0, keepdims=True)
            rv_sh = jnp.concatenate([rv[:1, :], rv[:K - 1, :]], axis=0)
            ri_sh = jnp.concatenate([ri[:1, :], ri[:K - 1, :]], axis=0)
            val_ref[...] = jnp.where(
                k8 < pos, rv, jnp.where(k8 == pos, m, rv_sh))
            idx_ref[...] = jnp.where(
                k8 < pos, ri, jnp.where(k8 == pos, gi, ri_sh))


def _topk(pq, bank):
    return pl.pallas_call(
        _topk_body,
        grid=(N // NC_CHUNK,),
        in_specs=[
            pl.BlockSpec((B, D), lambda j: (0, 0)),
            pl.BlockSpec((NC_CHUNK, D), lambda j: (j, 0)),
        ],
        out_specs=[
            pl.BlockSpec((K, B), lambda j: (0, 0)),
            pl.BlockSpec((K, B), lambda j: (0, 0)),
        ],
        out_shape=[
            jax.ShapeDtypeStruct((K, B), jnp.float32),
            jax.ShapeDtypeStruct((K, B), jnp.int32),
        ],
        scratch_shapes=[
            pltpu.VMEM((NC_CHUNK, B), jnp.float32),
            pltpu.VMEM((1, B), jnp.float32),
        ],
    )(pq, bank)


@functools.lru_cache(maxsize=1)
def _sc_gather_kernel():
    n_cores, n_sub = 2, 16
    nw = n_cores * n_sub
    rows = B * K
    per_w = rows // nw
    mesh = plsc.VectorSubcoreMesh(
        core_axis_name="c", subcore_axis_name="s",
        num_cores=n_cores, num_subcores=n_sub)

    @functools.partial(
        pl.kernel,
        out_type=jax.ShapeDtypeStruct((rows, D), jnp.float32),
        mesh=mesh,
        scratch_types=[
            pltpu.VMEM((per_w,), jnp.int32),
            pltpu.VMEM((per_w, D), jnp.float32),
            pltpu.SemaphoreType.DMA,
        ],
    )
    def gather_k(table_hbm, idx_hbm, out_hbm, idx_v, rows_v, sem):
        wid = lax.axis_index("s") * n_cores + lax.axis_index("c")
        base = wid * per_w
        pltpu.sync_copy(idx_hbm.at[pl.ds(base, per_w)], idx_v)
        pltpu.async_copy(table_hbm.at[idx_v], rows_v, sem).wait()
        pltpu.sync_copy(rows_v, out_hbm.at[pl.ds(base, per_w)])

    return gather_k


def _gather_rows(bank, idx):
    return _sc_gather_kernel()(bank, idx)


def _finalize_body(g_ref, v_ref, feats_ref, w_ref, proto_ref,
                   mean_ref, std_ref, ent_ref):
    sel = g_ref[...].reshape(B, K, D)
    feats_ref[...] = sel

    v = v_ref[...]
    m = jnp.max(v, axis=1, keepdims=True)
    e = jnp.exp(v - m)
    w = e / jnp.sum(e, axis=1, keepdims=True)
    w_ref[...] = w

    pr = jnp.sum(w[:, :, None] * sel, axis=1)
    prn = jnp.sqrt(jnp.sum(pr * pr, axis=1, keepdims=True))
    proto_ref[...] = pr / jnp.maximum(prn, 1e-12)

    ws = jnp.sum(w, axis=1, keepdims=True)
    p = w / jnp.maximum(ws, 1e-6)
    ent_ref[...] = -jnp.sum(p * jnp.log(jnp.maximum(p, 1e-6)),
                            axis=1, keepdims=True)

    mu = jnp.mean(v, axis=1, keepdims=True)
    mean_ref[...] = mu
    std_ref[...] = jnp.sqrt(jnp.mean((v - mu) ** 2, axis=1, keepdims=True))


def _finalize(gathered, vals):
    return pl.pallas_call(
        _finalize_body,
        out_shape=[
            jax.ShapeDtypeStruct((B, K, D), jnp.float32),
            jax.ShapeDtypeStruct((B, K), jnp.float32),
            jax.ShapeDtypeStruct((B, D), jnp.float32),
            jax.ShapeDtypeStruct((B, 1), jnp.float32),
            jax.ShapeDtypeStruct((B, 1), jnp.float32),
            jax.ShapeDtypeStruct((B, 1), jnp.float32),
        ],
    )(gathered, vals)


def kernel(query_feature, positive_bank, negative_bank, W1, b1, W2, b2):
    pq = _project(query_feature, W1, b1, W2, b2)
    bf_pos = _normalize(positive_bank, axis=-1)
    bf_neg = _normalize(negative_bank, axis=-1)

    pos_vals_t, pos_idx_t = _topk(pq, bf_pos)
    neg_vals_t, neg_idx_t = _topk(pq, bf_neg)
    pos_vals, pos_idx = pos_vals_t.T, pos_idx_t.T
    neg_vals, neg_idx = neg_vals_t.T, neg_idx_t.T

    pos_rows = _gather_rows(bf_pos, pos_idx.reshape(B * K))
    neg_rows = _gather_rows(bf_neg, neg_idx.reshape(B * K))

    pos_feats, pos_w, pos_proto, pos_mean, pos_std, pos_ent = _finalize(
        pos_rows, pos_vals)
    neg_feats, neg_w, neg_proto, neg_mean, neg_std, neg_ent = _finalize(
        neg_rows, neg_vals)

    return (pos_feats, pos_w, pos_proto, pos_vals,
            neg_feats, neg_w, neg_proto, neg_vals,
            pos_mean.reshape(B), neg_mean.reshape(B),
            pos_std.reshape(B), neg_std.reshape(B),
            pos_ent.reshape(B), neg_ent.reshape(B))

# --- scband reference (transcript-rebuilt; emitter-appended) ---
"""Pipeline reference for scband-prototype-retriever-35974646071931 (READ-ONLY COPY).

The authoritative reference and input builder live on the scoring server;
editing this copy changes nothing except your own understanding.
"""

import jax, jax.numpy as jnp
import numpy as np

FEATURE_DIM = 128
TOPK_POS = 8
TOPK_NEG = 8


def _normalize(x, axis=-1, eps=1e-12):
    n = jnp.linalg.norm(x, axis=axis, keepdims=True)
    return x / jnp.clip(n, eps, None)


def setup_inputs(seed: int = 0) -> dict:
    key = jax.random.key(seed)
    ks = jax.random.split(key, 7)
    B, C, H, W = 1024, 128, 14, 14
    N = 100000
    d = FEATURE_DIM
    scale = 1.0 / np.sqrt(d)
    return {
        "query_feature": jax.random.normal(ks[0], (B, C, H, W), dtype=jnp.float32),
        "positive_bank": jax.random.normal(ks[1], (N, d), dtype=jnp.float32),
        "negative_bank": jax.random.normal(ks[2], (N, d), dtype=jnp.float32),
        "W1": jax.random.normal(ks[3], (d, d), dtype=jnp.float32) * scale,
        "b1": jnp.zeros((d,), dtype=jnp.float32),
        "W2": jax.random.normal(ks[4], (d, d), dtype=jnp.float32) * scale,
        "b2": jnp.zeros((d,), dtype=jnp.float32),
    }


def _entropy_rows(weights):
    p = weights / jnp.clip(jnp.sum(weights, axis=-1, keepdims=True), 1e-06, None)
    return -jnp.sum(p * jnp.log(jnp.clip(p, 1e-06, None)), axis=-1)


def _retrieve(projected_query, bank_features, top_k):
    # bank features assumed feature_dim-matched; L2-normalize rows
    bf = _normalize(bank_features, axis=-1)
    # similarities for all queries at once: [B, N]  (vectorized form of the per-query matmul loop)
    sims = projected_query @ bf.T
    values, indices = jax.lax.top_k(sims, top_k)  # [B, k]
    selected = jnp.take(bf, indices, axis=0)  # [B, k, d] gather
    weights = jax.nn.softmax(values, axis=-1)
    prototype = _normalize(jnp.sum(weights[..., None] * selected, axis=1), axis=-1)
    entropy = _entropy_rows(weights)
    return selected, weights, prototype, values, entropy


def reference(query_feature, positive_bank, negative_bank, W1, b1, W2, b2):
    # global_average_pool: adaptive_avg_pool2d(x, 1).flatten(1) == mean over H,W; then L2 normalize
    query_global = _normalize(jnp.mean(query_feature, axis=(2, 3)), axis=-1)
    # query_projection: Linear -> GELU (exact/erf, matching torch default) -> Linear, then normalize
    h = jax.nn.gelu(query_global @ W1.T + b1, approximate=False)
    projected_query = _normalize(h @ W2.T + b2, axis=-1)

    pos_feats, pos_w, pos_proto, pos_scores, pos_entropy = _retrieve(projected_query, positive_bank, TOPK_POS)
    neg_feats, neg_w, neg_proto, neg_scores, neg_entropy = _retrieve(projected_query, negative_bank, TOPK_NEG)

    pos_sim_mean = jnp.mean(pos_scores, axis=-1)
    neg_sim_mean = jnp.mean(neg_scores, axis=-1)
    pos_sim_std = jnp.std(pos_scores, axis=-1)  # unbiased=False
    neg_sim_std = jnp.std(neg_scores, axis=-1)

    return (pos_feats, pos_w, pos_proto, pos_scores,
            neg_feats, neg_w, neg_proto, neg_scores,
            pos_sim_mean, neg_sim_mean, pos_sim_std, neg_sim_std,
            pos_entropy, neg_entropy)

if __name__ == "__main__":
    import jax
    _d = setup_inputs()
    print(jax.jit(kernel)(*tuple(_d.values())))

</pallas_src>

<mosaic_0001>
#map = affine_map<(d0, d1) -> (0, 0)>
#map1 = affine_map<(d0, d1) -> (0)>
module attributes {stable_mosaic.version = 14 : i64} {
  func.func @gather_k(%arg0: i32, %arg1: i32, %arg2: memref<100000x128xf32, #tpu.memory_space<hbm>>, %arg3: memref<8192xi32, #tpu.memory_space<hbm>>, %arg4: memref<8192x128xf32, #tpu.memory_space<hbm>>, %arg5: memref<256xi32, #tpu.memory_space<vmem>>, %arg6: memref<256x128xf32, #tpu.memory_space<vmem>>, %arg7: memref<!tpu.dma_semaphore, #tpu.memory_space<semaphore_mem>>) attributes {dimension_semantics = [#tpu.dimension_semantics<core_parallel>, #tpu.dimension_semantics<subcore_parallel>], iteration_bounds = array<i64: 2, 16>, scalar_prefetch = 0 : i64, scratch_operands = 3 : i64, tpu.core_type = #tpu.core_type<sc_vector_subcore>, window_params = [{transform_indices = #map}, {transform_indices = #map1}, {transform_indices = #map}]} {
    %mul3A = arith.constant 2 : i32
    %mul3A_0 = arith.muli %arg1, %mul3A : i32
    %add3A = arith.addi %mul3A_0, %arg0 : i32
    %mul3A_1 = arith.constant 256 : i32
    %mul3A_2 = arith.muli %add3A, %mul3A_1 : i32
    "tpu.region"() ({
      %run_scoped3A = tpu.sem_alloc : memref<!tpu.dma_semaphore, #tpu.memory_space<semaphore_mem>>
      %dma_start3A_7 = tpu.memref_slice %arg3[%mul3A_2] : memref<8192xi32, #tpu.memory_space<hbm>> -> memref<256xi32, #tpu.memory_space<hbm>>
      %dma_start3A_8 = tpu.memref_slice %arg3[%mul3A_2] : memref<8192xi32, #tpu.memory_space<hbm>> -> memref<256xi32, #tpu.memory_space<hbm>>
      tpu.enqueue_dma source(%dma_start3A_8 : memref<256xi32, #tpu.memory_space<hbm>>) target(%arg5 : memref<256xi32, #tpu.memory_space<vmem>>) target_semaphore(%run_scoped3A : memref<!tpu.dma_semaphore, #tpu.memory_space<semaphore_mem>>)
      %dma_wait3A_9 = tpu.memref_slice %arg3[%mul3A_2] : memref<8192xi32, #tpu.memory_space<hbm>> -> memref<256xi32, #tpu.memory_space<hbm>>
      %dma_wait3A_10 = tpu.memref_slice %arg3[%mul3A_2] : memref<8192xi32, #tpu.memory_space<hbm>> -> memref<256xi32, #tpu.memory_space<hbm>>
      tpu.wait_dma2 semaphore(%run_scoped3A : memref<!tpu.dma_semaphore, #tpu.memory_space<semaphore_mem>>) src(%dma_wait3A_10 : memref<256xi32, #tpu.memory_space<hbm>>) dst(%arg5 : memref<256xi32, #tpu.memory_space<vmem>>)
      tpu.yield
    }) : () -> ()
    %dma_start3A = arith.constant 0 : i32
    %dma_start3A_3 = arith.constant 0 : i32
    %dma_start3A_4 = tpu.memref_slice %arg2[%dma_start3A, %dma_start3A_3] : memref<100000x128xf32, #tpu.memory_space<hbm>> -> memref<100000x128xf32, #tpu.memory_space<hbm>>
    tpu.enqueue_indirect_dma source(%dma_start3A_4 : memref<100000x128xf32, #tpu.memory_space<hbm>>) target(%arg6 : memref<256x128xf32, #tpu.memory_space<vmem>>) offsets(%arg5 : memref<256xi32, #tpu.memory_space<vmem>>) semaphore(%arg7 : memref<!tpu.dma_semaphore, #tpu.memory_space<semaphore_mem>>)
    %dma_wait3A = arith.constant 0 : i32
    %dma_wait3A_5 = arith.constant 0 : i32
    %dma_wait3A_6 = tpu.memref_slice %arg2[%dma_wait3A, %dma_wait3A_5] : memref<100000x128xf32, #tpu.memory_space<hbm>> -> memref<100000x128xf32, #tpu.memory_space<hbm>>
    tpu.wait_indirect_dma semaphore(%arg7 : memref<!tpu.dma_semaphore, #tpu.memory_space<semaphore_mem>>) src(%dma_wait3A_6 : memref<100000x128xf32, #tpu.memory_space<hbm>>) dst(%arg6 : memref<256x128xf32, #tpu.memory_space<vmem>>)
    "tpu.region"() ({
      %run_scoped3A = tpu.sem_alloc : memref<!tpu.dma_semaphore, #tpu.memory_space<semaphore_mem>>
      %dma_start3A_7 = arith.constant 0 : i32
      %dma_start3A_8 = tpu.memref_slice %arg4[%mul3A_2, %dma_start3A_7] : memref<8192x128xf32, #tpu.memory_space<hbm>> -> memref<256x128xf32, #tpu.memory_space<hbm>>
      %dma_start3A_9 = arith.constant 0 : i32
      %dma_start3A_10 = tpu.memref_slice %arg4[%mul3A_2, %dma_start3A_9] : memref<8192x128xf32, #tpu.memory_space<hbm>> -> memref<256x128xf32, #tpu.memory_space<hbm>>
      tpu.enqueue_dma source(%arg6 : memref<256x128xf32, #tpu.memory_space<vmem>>) target(%dma_start3A_10 : memref<256x128xf32, #tpu.memory_space<hbm>>) target_semaphore(%run_scoped3A : memref<!tpu.dma_semaphore, #tpu.memory_space<semaphore_mem>>)
      %dma_wait3A_11 = arith.constant 0 : i32
      %dma_wait3A_12 = tpu.memref_slice %arg4[%mul3A_2, %dma_wait3A_11] : memref<8192x128xf32, #tpu.memory_space<hbm>> -> memref<256x128xf32, #tpu.memory_space<hbm>>
      %dma_wait3A_13 = arith.constant 0 : i32
      %dma_wait3A_14 = tpu.memref_slice %arg4[%mul3A_2, %dma_wait3A_13] : memref<8192x128xf32, #tpu.memory_space<hbm>> -> memref<256x128xf32, #tpu.memory_space<hbm>>
      tpu.wait_dma2 semaphore(%run_scoped3A : memref<!tpu.dma_semaphore, #tpu.memory_space<semaphore_mem>>) src(%arg6 : memref<256x128xf32, #tpu.memory_space<vmem>>) dst(%dma_wait3A_14 : memref<256x128xf32, #tpu.memory_space<hbm>>)
      tpu.yield
    }) : () -> ()
    return
  }
}

#map = affine_map<(d0, d1) -> (0, 0)>
#map1 = affine_map<(d0, d1) -> (0)>
module attributes {stable_mosaic.version = 14 : i64} {
  func.func @gather_k(%arg0: i32, %arg1: i32, %arg2: memref<100000x128xf32, #tpu.memory_space<hbm>>, %arg3: memref<8192xi32, #tpu.memory_space<hbm>>, %arg4: memref<8192x128xf32, #tpu.memory_space<hbm>>, %arg5: memref<256xi32, #tpu.memory_space<vmem>>, %arg6: memref<256x128xf32, #tpu.memory_space<vmem>>, %arg7: memref<!tpu.dma_semaphore, #tpu.memory_space<semaphore_mem>>) attributes {dimension_semantics = [#tpu.dimension_semantics<core_parallel>, #tpu.dimension_semantics<subcore_parallel>], iteration_bounds = array<i64: 2, 16>, scalar_prefetch = 0 : i64, scratch_operands = 3 : i64, tpu.core_type = #tpu.core_type<sc_vector_subcore>, window_params = [{transform_indices = #map}, {transform_indices = #map1}, {transform_indices = #map}]} {
    %mul3A = arith.constant 2 : i32
    %mul3A_0 = arith.muli %arg1, %mul3A : i32
    %add3A = arith.addi %mul3A_0, %arg0 : i32
    %mul3A_1 = arith.constant 256 : i32
    %mul3A_2 = arith.muli %add3A, %mul3A_1 : i32
    "tpu.region"() ({
      %run_scoped3A = tpu.sem_alloc : memref<!tpu.dma_semaphore, #tpu.memory_space<semaphore_mem>>
      %dma_start3A_7 = tpu.memref_slice %arg3[%mul3A_2] : memref<8192xi32, #tpu.memory_space<hbm>> -> memref<256xi32, #tpu.memory_space<hbm>>
      %dma_start3A_8 = tpu.memref_slice %arg3[%mul3A_2] : memref<8192xi32, #tpu.memory_space<hbm>> -> memref<256xi32, #tpu.memory_space<hbm>>
      tpu.enqueue_dma source(%dma_start3A_8 : memref<256xi32, #tpu.memory_space<hbm>>) target(%arg5 : memref<256xi32, #tpu.memory_space<vmem>>) target_semaphore(%run_scoped3A : memref<!tpu.dma_semaphore, #tpu.memory_space<semaphore_mem>>)
      %dma_wait3A_9 = tpu.memref_slice %arg3[%mul3A_2] : memref<8192xi32, #tpu.memory_space<hbm>> -> memref<256xi32, #tpu.memory_space<hbm>>
      %dma_wait3A_10 = tpu.memref_slice %arg3[%mul3A_2] : memref<8192xi32, #tpu.memory_space<hbm>> -> memref<256xi32, #tpu.memory_space<hbm>>
      tpu.wait_dma2 semaphore(%run_scoped3A : memref<!tpu.dma_semaphore, #tpu.memory_space<semaphore_mem>>) src(%dma_wait3A_10 : memref<256xi32, #tpu.memory_space<hbm>>) dst(%arg5 : memref<256xi32, #tpu.memory_space<vmem>>)
      tpu.yield
    }) : () -> ()
    %dma_start3A = arith.constant 0 : i32
    %dma_start3A_3 = arith.constant 0 : i32
    %dma_start3A_4 = tpu.memref_slice %arg2[%dma_start3A, %dma_start3A_3] : memref<100000x128xf32, #tpu.memory_space<hbm>> -> memref<100000x128xf32, #tpu.memory_space<hbm>>
    tpu.enqueue_indirect_dma source(%dma_start3A_4 : memref<100000x128xf32, #tpu.memory_space<hbm>>) target(%arg6 : memref<256x128xf32, #tpu.memory_space<vmem>>) offsets(%arg5 : memref<256xi32, #tpu.memory_space<vmem>>) semaphore(%arg7 : memref<!tpu.dma_semaphore, #tpu.memory_space<semaphore_mem>>)
    %dma_wait3A = arith.constant 0 : i32
    %dma_wait3A_5 = arith.constant 0 : i32
    %dma_wait3A_6 = tpu.memref_slice %arg2[%dma_wait3A, %dma_wait3A_5] : memref<100000x128xf32, #tpu.memory_space<hbm>> -> memref<100000x128xf32, #tpu.memory_space<hbm>>
    tpu.wait_indirect_dma semaphore(%arg7 : memref<!tpu.dma_semaphore, #tpu.memory_space<semaphore_mem>>) src(%dma_wait3A_6 : memref<100000x128xf32, #tpu.memory_space<hbm>>) dst(%arg6 : memref<256x128xf32, #tpu.memory_space<vmem>>)
    "tpu.region"() ({
      %run_scoped3A = tpu.sem_alloc : memref<!tpu.dma_semaphore, #tpu.memory_space<semaphore_mem>>
      %dma_start3A_7 = arith.constant 0 : i32
      %dma_start3A_8 = tpu.memref_slice %arg4[%mul3A_2, %dma_start3A_7] : memref<8192x128xf32, #tpu.memory_space<hbm>> -> memref<256x128xf32, #tpu.memory_space<hbm>>
      %dma_start3A_9 = arith.constant 0 : i32
      %dma_start3A_10 = tpu.memref_slice %arg4[%mul3A_2, %dma_start3A_9] : memref<8192x128xf32, #tpu.memory_space<hbm>> -> memref<256x128xf32, #tpu.memory_space<hbm>>
      tpu.enqueue_dma source(%arg6 : memref<256x128xf32, #tpu.memory_space<vmem>>) target(%dma_start3A_10 : memref<256x128xf32, #tpu.memory_space<hbm>>) target_semaphore(%run_scoped3A : memref<!tpu.dma_semaphore, #tpu.memory_space<semaphore_mem>>)
      %dma_wait3A_11 = arith.constant 0 : i32
      %dma_wait3A_12 = tpu.memref_slice %arg4[%mul3A_2, %dma_wait3A_11] : memref<8192x128xf32, #tpu.memory_space<hbm>> -> memref<256x128xf32, #tpu.memory_space<hbm>>
      %dma_wait3A_13 = arith.constant 0 : i32
      %dma_wait3A_14 = tpu.memref_slice %arg4[%mul3A_2, %dma_wait3A_13] : memref<8192x128xf32, #tpu.memory_space<hbm>> -> memref<256x128xf32, #tpu.memory_space<hbm>>
      tpu.wait_dma2 semaphore(%run_scoped3A : memref<!tpu.dma_semaphore, #tpu.memory_space<semaphore_mem>>) src(%arg6 : memref<256x128xf32, #tpu.memory_space<vmem>>) dst(%dma_wait3A_14 : memref<256x128xf32, #tpu.memory_space<hbm>>)
      tpu.yield
    }) : () -> ()
    return
  }
}

module attributes {stable_mosaic.version = 14 : i64} {
  func.func @_topk_body(%arg0: i32, %arg1: memref<1024x128xf32, #tpu.memory_space<vmem>>, %arg2: memref<2000x128xf32, #tpu.memory_space<vmem>>, %arg3: memref<8x1024xf32, #tpu.memory_space<vmem>>, %arg4: memref<8x1024xi32, #tpu.memory_space<vmem>>, %arg5: memref<2000x1024xf32, #tpu.memory_space<vmem>>, %arg6: memref<1x1024xf32, #tpu.memory_space<vmem>>) attributes {dimension_semantics = [#tpu.dimension_semantics<arbitrary>], iteration_bounds = array<i64: 50>, scalar_prefetch = 0 : i64, scratch_operands = 2 : i64, tpu.core_type = #tpu.core_type<tc>, window_params = [{pipeline_mode = #tpu.pipeline_mode<synchronous>, transform_indices = @transform_0, window_bounds = array<i64: 1024, 128>}, {transform_indices = @transform_1, window_bounds = array<i64: 2000, 128>}, {pipeline_mode = #tpu.pipeline_mode<synchronous>, transform_indices = @transform_2, window_bounds = array<i64: 8, 1024>}, {pipeline_mode = #tpu.pipeline_mode<synchronous>, transform_indices = @transform_3, window_bounds = array<i64: 8, 1024>}]} {
    %eq3A = arith.constant 0 : i32
    %eq3A_0 = arith.cmpi eq, %arg0, %eq3A : i32
    %convert_element_type3A = arith.extui %eq3A_0 : i1 to i32
    %cond3A = arith.constant 0 : i32
    %cond3A_1 = arith.cmpi ne, %convert_element_type3A, %cond3A : i32
    scf.if %cond3A_1 {
      %broadcast_in_dim3A_188 = arith.constant -1.000000e+30 : f32
      %broadcast_in_dim3A_189 = vector.broadcast %broadcast_in_dim3A_188 : f32 to vector<8x1024xf32>
      %swap3A_190 = arith.constant 0 : index
      %swap3A_191 = arith.constant 0 : index
      %swap3A_192 = vector.load %arg3[%swap3A_190, %swap3A_191] : memref<8x1024xf32, #tpu.memory_space<vmem>>, vector<8x1024xf32>
      tpu.vector_store %arg3[%swap3A_190, %swap3A_191], %broadcast_in_dim3A_189 {strides = array<i32>} : memref<8x1024xf32, #tpu.memory_space<vmem>>, vector<8x1024xf32>,
      %broadcast_in_dim3A_193 = arith.constant 0 : i32
      %broadcast_in_dim3A_194 = vector.broadcast %broadcast_in_dim3A_193 : i32 to vector<8x1024xi32>
      %swap3A_195 = arith.constant 0 : index
      %swap3A_196 = arith.constant 0 : index
      %swap3A_197 = vector.load %arg4[%swap3A_195, %swap3A_196] : memref<8x1024xi32, #tpu.memory_space<vmem>>, vector<8x1024xi32>
      tpu.vector_store %arg4[%swap3A_195, %swap3A_196], %broadcast_in_dim3A_194 {strides = array<i32>} : memref<8x1024xi32, #tpu.memory_space<vmem>>, vector<8x1024xi32>,
    } else {
    }
    %get3A = arith.constant 0 : index
    %get3A_2 = arith.constant 0 : index
    %get3A_3 = vector.load %arg2[%get3A, %get3A_2] : memref<2000x128xf32, #tpu.memory_space<vmem>>, vector<2000x128xf32>
    %get3A_4 = arith.constant 0 : index
    %get3A_5 = arith.constant 0 : index
    %get3A_6 = vector.load %arg1[%get3A_4, %get3A_5] : memref<1024x128xf32, #tpu.memory_space<vmem>>, vector<1024x128xf32>
    %dot_general3A = arith.constant dense<0.000000e+00> : vector<2000x1024xf32>
    %dot_general3A_7 = tpu.matmul %get3A_3, %get3A_6, %dot_general3A {dimension_numbers = #tpu.dot_dimension_numbers<[1], [1], [0], [0], [0, 0, 1, 0], [], []>, transpose_lhs_hint = false} : vector<2000x128xf32>, vector<1024x128xf32>, vector<2000x1024xf32> -> vector<2000x1024xf32>
    %swap3A = arith.constant 0 : index
    %swap3A_8 = arith.constant 0 : index
    %swap3A_9 = vector.load %arg5[%swap3A, %swap3A_8] : memref<2000x1024xf32, #tpu.memory_space<vmem>>, vector<2000x1024xf32>
    tpu.vector_store %arg5[%swap3A, %swap3A_8], %dot_general3A_7 {strides = array<i32>} : memref<2000x1024xf32, #tpu.memory_space<vmem>>, vector<2000x1024xf32>,
    %reduce_max3A = arith.constant dense<0xFF800000> : vector<1024xf32>
    %reduce_max3A_10 = vector.multi_reduction <maximumf>, %dot_general3A_7, %reduce_max3A [0] : vector<2000x1024xf32> to vector<1024xf32>
    %broadcast_in_dim3A = vector.shape_cast %reduce_max3A_10 : vector<1024xf32> to vector<1x1024xf32>
    %swap3A_11 = arith.constant 0 : index
    %swap3A_12 = arith.constant 0 : index
    %swap3A_13 = vector.load %arg6[%swap3A_11, %swap3A_12] : memref<1x1024xf32, #tpu.memory_space<vmem>>, vector<1x1024xf32>
    tpu.vector_store %arg6[%swap3A_11, %swap3A_12], %broadcast_in_dim3A {strides = array<i32>} : memref<1x1024xf32, #tpu.memory_space<vmem>>, vector<1x1024xf32>,
    %iota3A = tpu.iota {dimensions = array<i32: 0>} : vector<8x1024xi32>
    %get3A_14 = arith.constant 0 : index
    %get3A_15 = arith.constant 0 : index
    %get3A_16 = vector.load %arg6[%get3A_14, %get3A_15] : memref<1x1024xf32, #tpu.memory_space<vmem>>, vector<1x1024xf32>
    %get3A_17 = arith.constant 7 : index
    %get3A_18 = arith.constant 0 : index
    %get3A_19 = vector.load %arg3[%get3A_17, %get3A_18] : memref<8x1024xf32, #tpu.memory_space<vmem>>, vector<1x1024xf32>
    %gt3A = arith.cmpf ogt, %get3A_16, %get3A_19 : vector<1x1024xf32>
    %reduce_or3A = arith.constant 1.000000e+00 : f32
    %reduce_or3A_20 = arith.constant 0.000000e+00 : f32
    %reduce_or3A_21 = vector.broadcast %reduce_or3A : f32 to vector<1x1024xf32>
    %reduce_or3A_22 = vector.broadcast %reduce_or3A_20 : f32 to vector<1x1024xf32>
    %reduce_or3A_23 = arith.select %gt3A, %reduce_or3A_21, %reduce_or3A_22 : vector<1x1024xi1>, vector<1x1024xf32>
    %reduce_or3A_24 = vector.shape_cast %reduce_or3A_23 : vector<1x1024xf32> to vector<1x1x1024xf32>
    %reduce_or3A_25 = arith.constant dense<0xFF800000> : vector<1xf32>
    %reduce_or3A_26 = vector.multi_reduction <maximumf>, %reduce_or3A_24, %reduce_or3A_25 [1, 2] : vector<1x1x1024xf32> to vector<1xf32>
    %reduce_or3A_27 = vector.shape_cast %reduce_or3A_26 : vector<1xf32> to vector<1x1x1xf32>
    %reduce_or3A_28 = vector.extract %reduce_or3A_27[0, 0, 0] : f32 from vector<1x1x1xf32>
    %reduce_or3A_29 = arith.constant 0.000000e+00 : f32
    %reduce_or3A_30 = arith.cmpf ogt, %reduce_or3A_28, %reduce_or3A_29 : f32
    %convert_element_type3A_31 = arith.extui %reduce_or3A_30 : i1 to i32
    %cond3A_32 = arith.constant 0 : i32
    %cond3A_33 = arith.cmpi ne, %convert_element_type3A_31, %cond3A_32 : i32
    scf.if %cond3A_33 {
      %get3A_188 = arith.constant 0 : index
      %get3A_189 = arith.constant 0 : index
      %get3A_190 = vector.load %arg5[%get3A_188, %get3A_189] : memref<2000x1024xf32, #tpu.memory_space<vmem>>, vector<2000x1024xf32>
      %get3A_191 = arith.constant 0 : index
      %get3A_192 = arith.constant 0 : index
      %get3A_193 = vector.load %arg6[%get3A_191, %get3A_192] : memref<1x1024xf32, #tpu.memory_space<vmem>>, vector<1x1024xf32>
      %iota3A_194 = tpu.iota {dimensions = array<i32: 0>} : vector<2000x1024xi32>
      %eq3A_195 = vector.broadcast %get3A_193 : vector<1x1024xf32> to vector<2000x1024xf32>
      %eq3A_196 = arith.cmpf oeq, %get3A_190, %eq3A_195 : vector<2000x1024xf32>
      %jit3A = arith.constant 2000 : i32
      %broadcast_in_dim3A_197 = vector.broadcast %jit3A : i32 to vector<2000x1024xi32>
      %select_n3A = arith.select %eq3A_196, %iota3A_194, %broadcast_in_dim3A_197 : vector<2000x1024xi1>, vector<2000x1024xi32>
      %reduce_min3A = arith.constant dense<2147483647> : vector<1024xi32>
      %reduce_min3A_198 = vector.multi_reduction <minsi>, %select_n3A, %reduce_min3A [0] : vector<2000x1024xi32> to vector<1024xi32>
      %broadcast_in_dim3A_199 = vector.shape_cast %reduce_min3A_198 : vector<1024xi32> to vector<1x1024xi32>
      %eq3A_200 = vector.broadcast %broadcast_in_dim3A_199 : vector<1x1024xi32> to vector<2000x1024xi32>
      %eq3A_201 = arith.cmpi eq, %iota3A_194, %eq3A_200 : vector<2000x1024xi32>
      %jit3A_202 = arith.constant -1.000000e+30 : f32
      %broadcast_in_dim3A_203 = vector.broadcast %jit3A_202 : f32 to vector<2000x1024xf32>
      %select_n3A_204 = arith.select %eq3A_201, %broadcast_in_dim3A_203, %get3A_190 : vector<2000x1024xi1>, vector<2000x1024xf32>
      %swap3A_205 = arith.constant 0 : index
      %swap3A_206 = arith.constant 0 : index
      %swap3A_207 = vector.load %arg5[%swap3A_205, %swap3A_206] : memref<2000x1024xf32, #tpu.memory_space<vmem>>, vector<2000x1024xf32>
      tpu.vector_store %arg5[%swap3A_205, %swap3A_206], %select_n3A_204 {strides = array<i32>} : memref<2000x1024xf32, #tpu.memory_space<vmem>>, vector<2000x1024xf32>,
      %reduce_max3A_208 = arith.constant dense<0xFF800000> : vector<1024xf32>
      %reduce_max3A_209 = vector.multi_reduction <maximumf>, %select_n3A_204, %reduce_max3A_208 [0] : vector<2000x1024xf32> to vector<1024xf32>
      %broadcast_in_dim3A_210 = vector.shape_cast %reduce_max3A_209 : vector<1024xf32> to vector<1x1024xf32>
      %swap3A_211 = arith.constant 0 : index
      %swap3A_212 = arith.constant 0 : index
      %swap3A_213 = vector.load %arg6[%swap3A_211, %swap3A_212] : memref<1x1024xf32, #tpu.memory_space<vmem>>, vector<1x1024xf32>
      tpu.vector_store %arg6[%swap3A_211, %swap3A_212], %broadcast_in_dim3A_210 {strides = array<i32>} : memref<1x1024xf32, #tpu.memory_space<vmem>>, vector<1x1024xf32>,
      %get3A_214 = arith.constant 0 : index
      %get3A_215 = arith.constant 0 : index
      %get3A_216 = vector.load %arg3[%get3A_214, %get3A_215] : memref<8x1024xf32, #tpu.memory_space<vmem>>, vector<8x1024xf32>
      %get3A_217 = arith.constant 0 : index
      %get3A_218 = arith.constant 0 : index
      %get3A_219 = vector.load %arg4[%get3A_217, %get3A_218] : memref<8x1024xi32, #tpu.memory_space<vmem>>, vector<8x1024xi32>
      %mul3A = arith.constant 2000 : i32
      %mul3A_220 = arith.muli %arg0, %mul3A : i32
      %add3A = vector.broadcast %mul3A_220 : i32 to vector<1x1024xi32>
      %add3A_221 = arith.addi %broadcast_in_dim3A_199, %add3A : vector<1x1024xi32>
      %ge3A = vector.broadcast %get3A_193 : vector<1x1024xf32> to vector<8x1024xf32>
      %ge3A_222 = arith.cmpf oge, %get3A_216, %ge3A : vector<8x1024xf32>
      %convert_element_type3A_223 = arith.extui %ge3A_222 : vector<8x1024xi1> to vector<8x1024xi32>
      %reduce_sum3A = arith.constant dense<0> : vector<1024xi32>
      %reduce_sum3A_224 = vector.multi_reduction <add>, %convert_element_type3A_223, %reduce_sum3A [0] : vector<8x1024xi32> to vector<1024xi32>
      %broadcast_in_dim3A_225 = vector.shape_cast %reduce_sum3A_224 : vector<1024xi32> to vector<1x1024xi32>
      %slice3A = vector.extract_strided_slice %get3A_216 {offsets = [0, 0], sizes = [1, 1024], strides = [1, 1]} : vector<8x1024xf32> to vector<1x1024xf32>
      %slice3A_226 = vector.extract_strided_slice %get3A_216 {offsets = [0, 0], sizes = [7, 1024], strides = [1, 1]} : vector<8x1024xf32> to vector<7x1024xf32>
      %concatenate3A = tpu.concatenate %slice3A, %slice3A_226 in 0 : vector<1x1024xf32>, vector<7x1024xf32> -> vector<8x1024xf32>
      %slice3A_227 = vector.extract_strided_slice %get3A_219 {offsets = [0, 0], sizes = [1, 1024], strides = [1, 1]} : vector<8x1024xi32> to vector<1x1024xi32>
      %slice3A_228 = vector.extract_strided_slice %get3A_219 {offsets = [0, 0], sizes = [7, 1024], strides = [1, 1]} : vector<8x1024xi32> to vector<7x1024xi32>
      %concatenate3A_229 = tpu.concatenate %slice3A_227, %slice3A_228 in 0 : vector<1x1024xi32>, vector<7x1024xi32> -> vector<8x1024xi32>
      %lt3A = vector.broadcast %broadcast_in_dim3A_225 : vector<1x1024xi32> to vector<8x1024xi32>
      %lt3A_230 = arith.cmpi slt, %iota3A, %lt3A : vector<8x1024xi32>
      %eq3A_231 = vector.broadcast %broadcast_in_dim3A_225 : vector<1x1024xi32> to vector<8x1024xi32>
      %eq3A_232 = arith.cmpi eq, %iota3A, %eq3A_231 : vector<8x1024xi32>
      %broadcast_in_dim3A_233 = vector.shape_cast %get3A_193 : vector<1x1024xf32> to vector<1x1024xf32>
      %broadcast_in_dim3A_234 = vector.broadcast %broadcast_in_dim3A_233 : vector<1x1024xf32> to vector<8x1024xf32>
      %select_n3A_235 = arith.select %eq3A_232, %broadcast_in_dim3A_234, %concatenate3A : vector<8x1024xi1>, vector<8x1024xf32>
      %select_n3A_236 = arith.select %lt3A_230, %get3A_216, %select_n3A_235 : vector<8x1024xi1>, vector<8x1024xf32>
      %swap3A_237 = arith.constant 0 : index
      %swap3A_238 = arith.constant 0 : index
      %swap3A_239 = vector.load %arg3[%swap3A_237, %swap3A_238] : memref<8x1024xf32, #tpu.memory_space<vmem>>, vector<8x1024xf32>
      tpu.vector_store %arg3[%swap3A_237, %swap3A_238], %select_n3A_236 {strides = array<i32>} : memref<8x1024xf32, #tpu.memory_space<vmem>>, vector<8x1024xf32>,
      %lt3A_240 = vector.broadcast %broadcast_in_dim3A_225 : vector<1x1024xi32> to vector<8x1024xi32>
      %lt3A_241 = arith.cmpi slt, %iota3A, %lt3A_240 : vector<8x1024xi32>
      %eq3A_242 = vector.broadcast %broadcast_in_dim3A_225 : vector<1x1024xi32> to vector<8x1024xi32>
      %eq3A_243 = arith.cmpi eq, %iota3A, %eq3A_242 : vector<8x1024xi32>
      %broadcast_in_dim3A_244 = vector.shape_cast %add3A_221 : vector<1x1024xi32> to vector<1x1024xi32>
      %broadcast_in_dim3A_245 = vector.broadcast %broadcast_in_dim3A_244 : vector<1x1024xi32> to vector<8x1024xi32>
      %select_n3A_246 = arith.select %eq3A_243, %broadcast_in_dim3A_245, %concatenate3A_229 : vector<8x1024xi1>, vector<8x1024xi32>
      %select_n3A_247 = arith.select %lt3A_241, %get3A_219, %select_n3A_246 : vector<8x1024xi1>, vector<8x1024xi32>
      %swap3A_248 = arith.constant 0 : index
      %swap3A_249 = arith.constant 0 : index
      %swap3A_250 = vector.load %arg4[%swap3A_248, %swap3A_249] : memref<8x1024xi32, #tpu.memory_space<vmem>>, vector<8x1024xi32>
      tpu.vector_store %arg4[%swap3A_248, %swap3A_249], %select_n3A_247 {strides = array<i32>} : memref<8x1024xi32, #tpu.memory_space<vmem>>, vector<8x1024xi32>,
    } else {
    }
    %get3A_34 = arith.constant 0 : index
    %get3A_35 = arith.constant 0 : index
    %get3A_36 = vector.load %arg6[%get3A_34, %get3A_35] : memref<1x1024xf32, #tpu.memory_space<vmem>>, vector<1x1024xf32>
    %get3A_37 = arith.constant 7 : index
    %get3A_38 = arith.constant 0 : index
    %get3A_39 = vector.load %arg3[%get3A_37, %get3A_38] : memref<8x1024xf32, #tpu.memory_space<vmem>>, vector<1x1024xf32>
    %gt3A_40 = arith.cmpf ogt, %get3A_36, %get3A_39 : vector<1x1024xf32>
    %reduce_or3A_41 = arith.constant 1.000000e+00 : f32
    %reduce_or3A_42 = arith.constant 0.000000e+00 : f32
    %reduce_or3A_43 = vector.broadcast %reduce_or3A_41 : f32 to vector<1x1024xf32>
    %reduce_or3A_44 = vector.broadcast %reduce_or3A_42 : f32 to vector<1x1024xf32>
    %reduce_or3A_45 = arith.select %gt3A_40, %reduce_or3A_43, %reduce_or3A_44 : vector<1x1024xi1>, vector<1x1024xf32>
    %reduce_or3A_46 = vector.shape_cast %reduce_or3A_45 : vector<1x1024xf32> to vector<1x1x1024xf32>
    %reduce_or3A_47 = arith.constant dense<0xFF800000> : vector<1xf32>
    %reduce_or3A_48 = vector.multi_reduction <maximumf>, %reduce_or3A_46, %reduce_or3A_47 [1, 2] : vector<1x1x1024xf32> to vector<1xf32>
    %reduce_or3A_49 = vector.shape_cast %reduce_or3A_48 : vector<1xf32> to vector<1x1x1xf32>
    %reduce_or3A_50 = vector.extract %reduce_or3A_49[0, 0, 0] : f32 from vector<1x1x1xf32>
    %reduce_or3A_51 = arith.constant 0.000000e+00 : f32
    %reduce_or3A_52 = arith.cmpf ogt, %reduce_or3A_50, %reduce_or3A_51 : f32
    %convert_element_type3A_53 = arith.extui %reduce_or3A_52 : i1 to i32
    %cond3A_54 = arith.constant 0 : i32
    %cond3A_55 = arith.cmpi ne, %convert_element_type3A_53, %cond3A_54 : i32
    scf.if %cond3A_55 {
      %get3A_188 = arith.constant 0 : index
      %get3A_189 = arith.constant 0 : index
      %get3A_190 = vector.load %arg5[%get3A_188, %get3A_189] : memref<2000x1024xf32, #tpu.memory_space<vmem>>, vector<2000x1024xf32>
      %get3A_191 = arith.constant 0 : index
      %get3A_192 = arith.constant 0 : index
      %get3A_193 = vector.load %arg6[%get3A_191, %get3A_192] : memref<1x1024xf32, #tpu.memory_space<vmem>>, vector<1x1024xf32>
      %iota3A_194 = tpu.iota {dimensions = array<i32: 0>} : vector<2000x1024xi32>
      %eq3A_195 = vector.broadcast %get3A_193 : vector<1x1024xf32> to vector<2000x1024xf32>
      %eq3A_196 = arith.cmpf oeq, %get3A_190, %eq3A_195 : vector<2000x1024xf32>
      %jit3A = arith.constant 2000 : i32
      %broadcast_in_dim3A_197 = vector.broadcast %jit3A : i32 to vector<2000x1024xi32>
      %select_n3A = arith.select %eq3A_196, %iota3A_194, %broadcast_in_dim3A_197 : vector<2000x1024xi1>, vector<2000x1024xi32>
      %reduce_min3A = arith.constant dense<2147483647> : vector<1024xi32>
      %reduce_min3A_198 = vector.multi_reduction <minsi>, %select_n3A, %reduce_min3A [0] : vector<2000x1024xi32> to vector<1024xi32>
      %broadcast_in_dim3A_199 = vector.shape_cast %reduce_min3A_198 : vector<1024xi32> to vector<1x1024xi32>
      %eq3A_200 = vector.broadcast %broadcast_in_dim3A_199 : vector<1x1024xi32> to vector<2000x1024xi32>
      %eq3A_201 = arith.cmpi eq, %iota3A_194, %eq3A_200 : vector<2000x1024xi32>
      %jit3A_202 = arith.constant -1.000000e+30 : f32
      %broadcast_in_dim3A_203 = vector.broadcast %jit3A_202 : f32 to vector<2000x1024xf32>
      %select_n3A_204 = arith.select %eq3A_201, %broadcast_in_dim3A_203, %get3A_190 : vector<2000x1024xi1>, vector<2000x1024xf32>
      %swap3A_205 = arith.constant 0 : index
      %swap3A_206 = arith.constant 0 : index
      %swap3A_207 = vector.load %arg5[%swap3A_205, %swap3A_206] : memref<2000x1024xf32, #tpu.memory_space<vmem>>, vector<2000x1024xf32>
      tpu.vector_store %arg5[%swap3A_205, %swap3A_206], %select_n3A_204 {strides = array<i32>} : memref<2000x1024xf32, #tpu.memory_space<vmem>>, vector<2000x1024xf32>,
      %reduce_max3A_208 = arith.constant dense<0xFF800000> : vector<1024xf32>
      %reduce_max3A_209 = vector.multi_reduction <maximumf>, %select_n3A_204, %reduce_max3A_208 [0] : vector<2000x1024xf32> to vector<1024xf32>
      %broadcast_in_dim3A_210 = vector.shape_cast %reduce_max3A_209 : vector<1024xf32> to vector<1x1024xf32>
      %swap3A_211 = arith.constant 0 : index
      %swap3A_212 = arith.constant 0 : index
      %swap3A_213 = vector.load %arg6[%swap3A_211, %swap3A_212] : memref<1x1024xf32, #tpu.memory_space<vmem>>, vector<1x1024xf32>
      tpu.vector_store %arg6[%swap3A_211, %swap3A_212], %broadcast_in_dim3A_210 {strides = array<i32>} : memref<1x1024xf32, #tpu.memory_space<vmem>>, vector<1x1024xf32>,
      %get3A_214 = arith.constant 0 : index
      %get3A_215 = arith.constant 0 : index
      %get3A_216 = vector.load %arg3[%get3A_214, %get3A_215] : memref<8x1024xf32, #tpu.memory_space<vmem>>, vector<8x1024xf32>
      %get3A_217 = arith.constant 0 : index
      %get3A_218 = arith.constant 0 : index
      %get3A_219 = vector.load %arg4[%get3A_217, %get3A_218] : memref<8x1024xi32, #tpu.memory_space<vmem>>, vector<8x1024xi32>
      %mul3A = arith.constant 2000 : i32
      %mul3A_220 = arith.muli %arg0, %mul3A : i32
      %add3A = vector.broadcast %mul3A_220 : i32 to vector<1x1024xi32>
      %add3A_221 = arith.addi %broadcast_in_dim3A_199, %add3A : vector<1x1024xi32>
      %ge3A = vector.broadcast %get3A_193 : vector<1x1024xf32> to vector<8x1024xf32>
      %ge3A_222 = arith.cmpf oge, %get3A_216, %ge3A : vector<8x1024xf32>
      %convert_element_type3A_223 = arith.extui %ge3A_222 : vector<8x1024xi1> to vector<8x1024xi32>
      %reduce_sum3A = arith.constant dense<0> : vector<1024xi32>
      %reduce_sum3A_224 = vector.multi_reduction <add>, %convert_element_type3A_223, %reduce_sum3A [0] : vector<8x1024xi32> to vector<1024xi32>
      %broadcast_in_dim3A_225 = vector.shape_cast %reduce_sum3A_224 : vector<1024xi32> to vector<1x1024xi32>
      %slice3A = vector.extract_strided_slice %get3A_216 {offsets = [0, 0], sizes = [1, 1024], strides = [1, 1]} : vector<8x1024xf32> to vector<1x1024xf32>
      %slice3A_226 = vector.extract_strided_slice %get3A_216 {offsets = [0, 0], sizes = [7, 1024], strides = [1, 1]} : vector<8x1024xf32> to vector<7x1024xf32>
      %concatenate3A = tpu.concatenate %slice3A, %slice3A_226 in 0 : vector<1x1024xf32>, vector<7x1024xf32> -> vector<8x1024xf32>
      %slice3A_227 = vector.extract_strided_slice %get3A_219 {offsets = [0, 0], sizes = [1, 1024], strides = [1, 1]} : vector<8x1024xi32> to vector<1x1024xi32>
      %slice3A_228 = vector.extract_strided_slice %get3A_219 {offsets = [0, 0], sizes = [7, 1024], strides = [1, 1]} : vector<8x1024xi32> to vector<7x1024xi32>
      %concatenate3A_229 = tpu.concatenate %slice3A_227, %slice3A_228 in 0 : vector<1x1024xi32>, vector<7x1024xi32> -> vector<8x1024xi32>
      %lt3A = vector.broadcast %broadcast_in_dim3A_225 : vector<1x1024xi32> to vector<8x1024xi32>
      %lt3A_230 = arith.cmpi slt, %iota3A, %lt3A : vector<8x1024xi32>
      %eq3A_231 = vector.broadcast %broadcast_in_dim3A_225 : vector<1x1024xi32> to vector<8x1024xi32>
      %eq3A_232 = arith.cmpi eq, %iota3A, %eq3A_231 : vector<8x1024xi32>
      %broadcast_in_dim3A_233 = vector.shape_cast %get3A_193 : vector<1x1024xf32> to vector<1x1024xf32>
      %broadcast_in_dim3A_234 = vector.broadcast %broadcast_in_dim3A_233 : vector<1x1024xf32> to vector<8x1024xf32>
      %select_n3A_235 = arith.select %eq3A_232, %broadcast_in_dim3A_234, %concatenate3A : vector<8x1024xi1>, vector<8x1024xf32>
      %select_n3A_236 = arith.select %lt3A_230, %get3A_216, %select_n3A_235 : vector<8x1024xi1>, vector<8x1024xf32>
      %swap3A_237 = arith.constant 0 : index
      %swap3A_238 = arith.constant 0 : index
      %swap3A_239 = vector.load %arg3[%swap3A_237, %swap3A_238] : memref<8x1024xf32, #tpu.memory_space<vmem>>, vector<8x1024xf32>
      tpu.vector_store %arg3[%swap3A_237, %swap3A_238], %select_n3A_236 {strides = array<i32>} : memref<8x1024xf32, #tpu.memory_space<vmem>>, vector<8x1024xf32>,
      %lt3A_240 = vector.broadcast %broadcast_in_dim3A_225 : vector<1x1024xi32> to vector<8x1024xi32>
      %lt3A_241 = arith.cmpi slt, %iota3A, %lt3A_240 : vector<8x1024xi32>
      %eq3A_242 = vector.broadcast %broadcast_in_dim3A_225 : vector<1x1024xi32> to vector<8x1024xi32>
      %eq3A_243 = arith.cmpi eq, %iota3A, %eq3A_242 : vector<8x1024xi32>
      %broadcast_in_dim3A_244 = vector.shape_cast %add3A_221 : vector<1x1024xi32> to vector<1x1024xi32>
      %broadcast_in_dim3A_245 = vector.broadcast %broadcast_in_dim3A_244 : vector<1x1024xi32> to vector<8x1024xi32>
      %select_n3A_246 = arith.select %eq3A_243, %broadcast_in_dim3A_245, %concatenate3A_229 : vector<8x1024xi1>, vector<8x1024xi32>
      %select_n3A_247 = arith.select %lt3A_241, %get3A_219, %select_n3A_246 : vector<8x1024xi1>, vector<8x1024xi32>
      %swap3A_248 = arith.constant 0 : index
      %swap3A_249 = arith.constant 0 : index
      %swap3A_250 = vector.load %arg4[%swap3A_248, %swap3A_249] : memref<8x1024xi32, #tpu.memory_space<vmem>>, vector<8x1024xi32>
      tpu.vector_store %arg4[%swap3A_248, %swap3A_249], %select_n3A_247 {strides = array<i32>} : memref<8x1024xi32, #tpu.memory_space<vmem>>, vector<8x1024xi32>,
    } else {
    }
    %get3A_56 = arith.constant 0 : index
    %get3A_57 = arith.constant 0 : index
    %get3A_58 = vector.load %arg6[%get3A_56, %get3A_57] : memref<1x1024xf32, #tpu.memory_space<vmem>>, vector<1x1024xf32>
    %get3A_59 = arith.constant 7 : index
    %get3A_60 = arith.constant 0 : index
    %get3A_61 = vector.load %arg3[%get3A_59, %get3A_60] : memref<8x1024xf32, #tpu.memory_space<vmem>>, vector<1x1024xf32>
    %gt3A_62 = arith.cmpf ogt, %get3A_58, %get3A_61 : vector<1x1024xf32>
    %reduce_or3A_63 = arith.constant 1.000000e+00 : f32
    %reduce_or3A_64 = arith.constant 0.000000e+00 : f32
    %reduce_or3A_65 = vector.broadcast %reduce_or3A_63 : f32 to vector<1x1024xf32>
    %reduce_or3A_66 = vector.broadcast %reduce_or3A_64 : f32 to vector<1x1024xf32>
    %reduce_or3A_67 = arith.select %gt3A_62, %reduce_or3A_65, %reduce_or3A_66 : vector<1x1024xi1>, vector<1x1024xf32>
    %reduce_or3A_68 = vector.shape_cast %reduce_or3A_67 : vector<1x1024xf32> to vector<1x1x1024xf32>
    %reduce_or3A_69 = arith.constant dense<0xFF800000> : vector<1xf32>
    %reduce_or3A_70 = vector.multi_reduction <maximumf>, %reduce_or3A_68, %reduce_or3A_69 [1, 2] : vector<1x1x1024xf32> to vector<1xf32>
    %reduce_or3A_71 = vector.shape_cast %reduce_or3A_70 : vector<1xf32> to vector<1x1x1xf32>
    %reduce_or3A_72 = vector.extract %reduce_or3A_71[0, 0, 0] : f32 from vector<1x1x1xf32>
    %reduce_or3A_73 = arith.constant 0.000000e+00 : f32
    %reduce_or3A_74 = arith.cmpf ogt, %reduce_or3A_72, %reduce_or3A_73 : f32
    %convert_element_type3A_75 = arith.extui %reduce_or3A_74 : i1 to i32
    %cond3A_76 = arith.constant 0 : i32
    %cond3A_77 = arith.cmpi ne, %convert_element_type3A_75, %cond3A_76 : i32
    scf.if %cond3A_77 {
      %get3A_188 = arith.constant 0 : index
      %get3A_189 = arith.constant 0 : index
      %get3A_190 = vector.load %arg5[%get3A_188, %get3A_189] : memref<2000x1024xf32, #tpu.memory_space<vmem>>, vector<2000x1024xf32>
      %get3A_191 = arith.constant 0 : index
      %get3A_192 = arith.constant 0 : index
      %get3A_193 = vector.load %arg6[%get3A_191, %get3A_192] : memref<1x1024xf32, #tpu.memory_space<vmem>>, vector<1x1024xf32>
      %iota3A_194 = tpu.iota {dimensions = array<i32: 0>} : vector<2000x1024xi32>
      %eq3A_195 = vector.broadcast %get3A_193 : vector<1x1024xf32> to vector<2000x1024xf32>
      %eq3A_196 = arith.cmpf oeq, %get3A_190, %eq3A_195 : vector<2000x1024xf32>
      %jit3A = arith.constant 2000 : i32
      %broadcast_in_dim3A_197 = vector.broadcast %jit3A : i32 to vector<2000x1024xi32>
      %select_n3A = arith.select %eq3A_196, %iota3A_194, %broadcast_in_dim3A_197 : vector<2000x1024xi1>, vector<2000x1024xi32>
      %reduce_min3A = arith.constant dense<2147483647> : vector<1024xi32>
      %reduce_min3A_198 = vector.multi_reduction <minsi>, %select_n3A, %reduce_min3A [0] : vector<2000x1024xi32> to vector<1024xi32>
      %broadcast_in_dim3A_199 = vector.shape_cast %reduce_min3A_198 : vector<1024xi32> to vector<1x1024xi32>
      %eq3A_200 = vector.broadcast %broadcast_in_dim3A_199 : vector<1x1024xi32> to vector<2000x1024xi32>
      %eq3A_201 = arith.cmpi eq, %iota3A_194, %eq3A_200 : vector<2000x1024xi32>
      %jit3A_202 = arith.constant -1.000000e+30 : f32
      %broadcast_in_dim3A_203 = vector.broadcast %jit3A_202 : f32 to vector<2000x1024xf32>
      %select_n3A_204 = arith.select %eq3A_201, %broadcast_in_dim3A_203, %get3A_190 : vector<2000x1024xi1>, vector<2000x1024xf32>
      %swap3A_205 = arith.constant 0 : index
      %swap3A_206 = arith.constant 0 : index
      %swap3A_207 = vector.load %arg5[%swap3A_205, %swap3A_206] : memref<2000x1024xf32, #tpu.memory_space<vmem>>, vector<2000x1024xf32>
      tpu.vector_store %arg5[%swap3A_205, %swap3A_206], %select_n3A_204 {strides = array<i32>} : memref<2000x1024xf32, #tpu.memory_space<vmem>>, vector<2000x1024xf32>,
      %reduce_max3A_208 = arith.constant dense<0xFF800000> : vector<1024xf32>
      %reduce_max3A_209 = vector.multi_reduction <maximumf>, %select_n3A_204, %reduce_max3A_208 [0] : vector<2000x1024xf32> to vector<1024xf32>
      %broadcast_in_dim3A_210 = vector.shape_cast %reduce_max3A_209 : vector<1024xf32> to vector<1x1024xf32>
      %swap3A_211 = arith.constant 0 : index
      %swap3A_212 = arith.constant 0 : index
      %swap3A_213 = vector.load %arg6[%swap3A_211, %swap3A_212] : memref<1x1024xf32, #tpu.memory_space<vmem>>, vector<1x1024xf32>
      tpu.vector_store %arg6[%swap3A_211, %swap3A_212], %broadcast_in_dim3A_210 {strides = array<i32>} : memref<1x1024xf32, #tpu.memory_space<vmem>>, vector<1x1024xf32>,
      %get3A_214 = arith.constant 0 : index
      %get3A_215 = arith.constant 0 : index
      %get3A_216 = vector.load %arg3[%get3A_214, %get3A_215] : memref<8x1024xf32, #tpu.memory_space<vmem>>, vector<8x1024xf32>
      %get3A_217 = arith.constant 0 : index
      %get3A_218 = arith.constant 0 : index
      %get3A_219 = vector.load %arg4[%get3A_217, %get3A_218] : memref<8x1024xi32, #tpu.memory_space<vmem>>, vector<8x1024xi32>
      %mul3A = arith.constant 2000 : i32
      %mul3A_220 = arith.muli %arg0, %mul3A : i32
      %add3A = vector.broadcast %mul3A_220 : i32 to vector<1x1024xi32>
      %add3A_221 = arith.addi %broadcast_in_dim3A_199, %add3A : vector<1x1024xi32>
      %ge3A = vector.broadcast %get3A_193 : vector<1x1024xf32> to vector<8x1024xf32>
      %ge3A_222 = arith.cmpf oge, %get3A_216, %ge3A : vector<8x1024xf32>
      %convert_element_type3A_223 = arith.extui %ge3A_222 : vector<8x1024xi1> to vector<8x1024xi32>
      %reduce_sum3A = arith.constant dense<0> : vector<1024xi32>
      %reduce_sum3A_224 = vector.multi_reduction <add>, %convert_element_type3A_223, %reduce_sum3A [0] : vector<8x1024xi32> to vector<1024xi32>
      %broadcast_in_dim3A_225 = vector.shape_cast %reduce_sum3A_224 : vector<1024xi32> to vector<1x1024xi32>
      %slice3A = vector.extract_strided_slice %get3A_216 {offsets = [0, 0], sizes = [1, 1024], strides = [1, 1]} : vector<8x1024xf32> to vector<1x1024xf32>
      %slice3A_226 = vector.extract_strided_slice %get3A_216 {offsets = [0, 0], sizes = [7, 1024], strides = [1, 1]} : vector<8x1024xf32> to vector<7x1024xf32>
      %concatenate3A = tpu.concatenate %slice3A, %slice3A_226 in 0 : vector<1x1024xf32>, vector<7x1024xf32> -> vector<8x1024xf32>
      %slice3A_227 = vector.extract_strided_slice %get3A_219 {offsets = [0, 0], sizes = [1, 1024], strides = [1, 1]} : vector<8x1024xi32> to vector<1x1024xi32>
      %slice3A_228 = vector.extract_strided_slice %get3A_219 {offsets = [0, 0], sizes = [7, 1024], strides = [1, 1]} : vector<8x1024xi32> to vector<7x1024xi32>
      %concatenate3A_229 = tpu.concatenate %slice3A_227, %slice3A_228 in 0 : vector<1x1024xi32>, vector<7x1024xi32> -> vector<8x1024xi32>
      %lt3A = vector.broadcast %broadcast_in_dim3A_225 : vector<1x1024xi32> to vector<8x1024xi32>
      %lt3A_230 = arith.cmpi slt, %iota3A, %lt3A : vector<8x1024xi32>
      %eq3A_231 = vector.broadcast %broadcast_in_dim3A_225 : vector<1x1024xi32> to vector<8x1024xi32>
      %eq3A_232 = arith.cmpi eq, %iota3A, %eq3A_231 : vector<8x1024xi32>
      %broadcast_in_dim3A_233 = vector.shape_cast %get3A_193 : vector<1x1024xf32> to vector<1x1024xf32>
      %broadcast_in_dim3A_234 = vector.broadcast %broadcast_in_dim3A_233 : vector<1x1024xf32> to vector<8x1024xf32>
      %select_n3A_235 = arith.select %eq3A_232, %broadcast_in_dim3A_234, %concatenate3A : vector<8x1024xi1>, vector<8x1024xf32>
      %select_n3A_236 = arith.select %lt3A_230, %get3A_216, %select_n3A_235 : vector<8x1024xi1>, vector<8x1024xf32>
      %swap3A_237 = arith.constant 0 : index
      %swap3A_238 = arith.constant 0 : index
      %swap3A_239 = vector.load %arg3[%swap3A_237, %swap3A_238] : memref<8x1024xf32, #tpu.memory_space<vmem>>, vector<8x1024xf32>
      tpu.vector_store %arg3[%swap3A_237, %swap3A_238], %select_n3A_236 {strides = array<i32>} : memref<8x1024xf32, #tpu.memory_space<vmem>>, vector<8x1024xf32>,
      %lt3A_240 = vector.broadcast %broadcast_in_dim3A_225 : vector<1x1024xi32> to vector<8x1024xi32>
      %lt3A_241 = arith.cmpi slt, %iota3A, %lt3A_240 : vector<8x1024xi32>
      %eq3A_242 = vector.broadcast %broadcast_in_dim3A_225 : vector<1x1024xi32> to vector<8x1024xi32>
      %eq3A_243 = arith.cmpi eq, %iota3A, %eq3A_242 : vector<8x1024xi32>
      %broadcast_in_dim3A_244 = vector.shape_cast %add3A_221 : vector<1x1024xi32> to vector<1x1024xi32>
      %broadcast_in_dim3A_245 = vector.broadcast %broadcast_in_dim3A_244 : vector<1x1024xi32> to vector<8x1024xi32>
      %select_n3A_246 = arith.select %eq3A_243, %broadcast_in_dim3A_245, %concatenate3A_229 : vector<8x1024xi1>, vector<8x1024xi32>
      %select_n3A_247 = arith.select %lt3A_241, %get3A_219, %select_n3A_246 : vector<8x1024xi1>, vector<8x1024xi32>
      %swap3A_248 = arith.constant 0 : index
      %swap3A_249 = arith.constant 0 : index
      %swap3A_250 = vector.load %arg4[%swap3A_248, %swap3A_249] : memref<8x1024xi32, #tpu.memory_space<vmem>>, vector<8x1024xi32>
      tpu.vector_store %arg4[%swap3A_248, %swap3A_249], %select_n3A_247 {strides = array<i32>} : memref<8x1024xi32, #tpu.memory_space<vmem>>, vector<8x1024xi32>,
    } else {
    }
    %get3A_78 = arith.constant 0 : index
    %get3A_79 = arith.constant 0 : index
    %get3A_80 = vector.load %arg6[%get3A_78, %get3A_79] : memref<1x1024xf32, #tpu.memory_space<vmem>>, vector<1x1024xf32>
    %get3A_81 = arith.constant 7 : index
    %get3A_82 = arith.constant 0 : index
    %get3A_83 = vector.load %arg3[%get3A_81, %get3A_82] : memref<8x1024xf32, #tpu.memory_space<vmem>>, vector<1x1024xf32>
    %gt3A_84 = arith.cmpf ogt, %get3A_80, %get3A_83 : vector<1x1024xf32>
    %reduce_or3A_85 = arith.constant 1.000000e+00 : f32
    %reduce_or3A_86 = arith.constant 0.000000e+00 : f32
    %reduce_or3A_87 = vector.broadcast %reduce_or3A_85 : f32 to vector<1x1024xf32>
    %reduce_or3A_88 = vector.broadcast %reduce_or3A_86 : f32 to vector<1x1024xf32>
    %reduce_or3A_89 = arith.select %gt3A_84, %reduce_or3A_87, %reduce_or3A_88 : vector<1x1024xi1>, vector<1x1024xf32>
    %reduce_or3A_90 = vector.shape_cast %reduce_or3A_89 : vector<1x1024xf32> to vector<1x1x1024xf32>
    %reduce_or3A_91 = arith.constant dense<0xFF800000> : vector<1xf32>
    %reduce_or3A_92 = vector.multi_reduction <maximumf>, %reduce_or3A_90, %reduce_or3A_91 [1, 2] : vector<1x1x1024xf32> to vector<1xf32>
    %reduce_or3A_93 = vector.shape_cast %reduce_or3A_92 : vector<1xf32> to vector<1x1x1xf32>
    %reduce_or3A_94 = vector.extract %reduce_or3A_93[0, 0, 0] : f32 from vector<1x1x1xf32>
    %reduce_or3A_95 = arith.constant 0.000000e+00 : f32
    %reduce_or3A_96 = arith.cmpf ogt, %reduce_or3A_94, %reduce_or3A_95 : f32
    %convert_element_type3A_97 = arith.extui %reduce_or3A_96 : i1 to i32
    %cond3A_98 = arith.constant 0 : i32
    %cond3A_99 = arith.cmpi ne, %convert_element_type3A_97, %cond3A_98 : i32
    scf.if %cond3A_99 {
      %get3A_188 = arith.constant 0 : index
      %get3A_189 = arith.constant 0 : index
      %get3A_190 = vector.load %arg5[%get3A_188, %get3A_189] : memref<2000x1024xf32, #tpu.memory_space<vmem>>, vector<2000x1024xf32>
      %get3A_191 = arith.constant 0 : index
      %get3A_192 = arith.constant 0 : index
      %get3A_193 = vector.load %arg6[%get3A_191, %get3A_192] : memref<1x1024xf32, #tpu.memory_space<vmem>>, vector<1x1024xf32>
      %iota3A_194 = tpu.iota {dimensions = array<i32: 0>} : vector<2000x1024xi32>
      %eq3A_195 = vector.broadcast %get3A_193 : vector<1x1024xf32> to vector<2000x1024xf32>
      %eq3A_196 = arith.cmpf oeq, %get3A_190, %eq3A_195 : vector<2000x1024xf32>
      %jit3A = arith.constant 2000 : i32
      %broadcast_in_dim3A_197 = vector.broadcast %jit3A : i32 to vector<2000x1024xi32>
      %select_n3A = arith.select %eq3A_196, %iota3A_194, %broadcast_in_dim3A_197 : vector<2000x1024xi1>, vector<2000x1024xi32>
      %reduce_min3A = arith.constant dense<2147483647> : vector<1024xi32>
      %reduce_min3A_198 = vector.multi_reduction <minsi>, %select_n3A, %reduce_min3A [0] : vector<2000x1024xi32> to vector<1024xi32>
      %broadcast_in_dim3A_199 = vector.shape_cast %reduce_min3A_198 : vector<1024xi32> to vector<1x1024xi32>
      %eq3A_200 = vector.broadcast %broadcast_in_dim3A_199 : vector<1x1024xi32> to vector<2000x1024xi32>
      %eq3A_201 = arith.cmpi eq, %iota3A_194, %eq3A_200 : vector<2000x1024xi32>
      %jit3A_202 = arith.constant -1.000000e+30 : f32
      %broadcast_in_dim3A_203 = vector.broadcast %jit3A_202 : f32 to vector<2000x1024xf32>
      %select_n3A_204 = arith.select %eq3A_201, %broadcast_in_dim3A_203, %get3A_190 : vector<2000x1024xi1>, vector<2000x1024xf32>
      %swap3A_205 = arith.constant 0 : index
      %swap3A_206 = arith.constant 0 : index
      %swap3A_207 = vector.load %arg5[%swap3A_205, %swap3A_206] : memref<2000x1024xf32, #tpu.memory_space<vmem>>, vector<2000x1024xf32>
      tpu.vector_store %arg5[%swap3A_205, %swap3A_206], %select_n3A_204 {strides = array<i32>} : memref<2000x1024xf32, #tpu.memory_space<vmem>>, vector<2000x1024xf32>,
      %reduce_max3A_208 = arith.constant dense<0xFF800000> : vector<1024xf32>
      %reduce_max3A_209 = vector.multi_reduction <maximumf>, %select_n3A_204, %reduce_max3A_208 [0] : vector<2000x1024xf32> to vector<1024xf32>
      %broadcast_in_dim3A_210 = vector.shape_cast %reduce_max3A_209 : vector<1024xf32> to vector<1x1024xf32>
      %swap3A_211 = arith.constant 0 : index
      %swap3A_212 = arith.constant 0 : index
      %swap3A_213 = vector.load %arg6[%swap3A_211, %swap3A_212] : memref<1x1024xf32, #tpu.memory_space<vmem>>, vector<1x1024xf32>
      tpu.vector_store %arg6[%swap3A_211, %swap3A_212], %broadcast_in_dim3A_210 {strides = array<i32>} : memref<1x1024xf32, #tpu.memory_space<vmem>>, vector<1x1024xf32>,
      %get3A_214 = arith.constant 0 : index
      %get3A_215 = arith.constant 0 : index
      %get3A_216 = vector.load %arg3[%get3A_214, %get3A_215] : memref<8x1024xf32, #tpu.memory_space<vmem>>, vector<8x1024xf32>
      %get3A_217 = arith.constant 0 : index
      %get3A_218 = arith.constant 0 : index
      %get3A_219 = vector.load %arg4[%get3A_217, %get3A_218] : memref<8x1024xi32, #tpu.memory_space<vmem>>, vector<8x1024xi32>
      %mul3A = arith.constant 2000 : i32
      %mul3A_220 = arith.muli %arg0, %mul3A : i32
      %add3A = vector.broadcast %mul3A_220 : i32 to vector<1x1024xi32>
      %add3A_221 = arith.addi %broadcast_in_dim3A_199, %add3A : vector<1x1024xi32>
      %ge3A = vector.broadcast %get3A_193 : vector<1x1024xf32> to vector<8x1024xf32>
      %ge3A_222 = arith.cmpf oge, %get3A_216, %ge3A : vector<8x1024xf32>
      %convert_element_type3A_223 = arith.extui %ge3A_222 : vector<8x1024xi1> to vector<8x1024xi32>
      %reduce_sum3A = arith.constant dense<0> : vector<1024xi32>
      %reduce_sum3A_224 = vector.multi_reduction <add>, %convert_element_type3A_223, %reduce_sum3A [0] : vector<8x1024xi32> to vector<1024xi32>
      %broadcast_in_dim3A_225 = vector.shape_cast %reduce_sum3A_224 : vector<1024xi32> to vector<1x1024xi32>
      %slice3A = vector.extract_strided_slice %get3A_216 {offsets = [0, 0], sizes = [1, 1024], strides = [1, 1]} : vector<8x1024xf32> to vector<1x1024xf32>
      %slice3A_226 = vector.extract_strided_slice %get3A_216 {offsets = [0, 0], sizes = [7, 1024], strides = [1, 1]} : vector<8x1024xf32> to vector<7x1024xf32>
      %concatenate3A = tpu.concatenate %slice3A, %slice3A_226 in 0 : vector<1x1024xf32>, vector<7x1024xf32> -> vector<8x1024xf32>
      %slice3A_227 = vector.extract_strided_slice %get3A_219 {offsets = [0, 0], sizes = [1, 1024], strides = [1, 1]} : vector<8x1024xi32> to vector<1x1024xi32>
      %slice3A_228 = vector.extract_strided_slice %get3A_219 {offsets = [0, 0], sizes = [7, 1024], strides = [1, 1]} : vector<8x1024xi32> to vector<7x1024xi32>
      %concatenate3A_229 = tpu.concatenate %slice3A_227, %slice3A_228 in 0 : vector<1x1024xi32>, vector<7x1024xi32> -> vector<8x1024xi32>
      %lt3A = vector.broadcast %broadcast_in_dim3A_225 : vector<1x1024xi32> to vector<8x1024xi32>
      %lt3A_230 = arith.cmpi slt, %iota3A, %lt3A : vector<8x1024xi32>
      %eq3A_231 = vector.broadcast %broadcast_in_dim3A_225 : vector<1x1024xi32> to vector<8x1024xi32>
      %eq3A_232 = arith.cmpi eq, %iota3A, %eq3A_231 : vector<8x1024xi32>
      %broadcast_in_dim3A_233 = vector.shape_cast %get3A_193 : vector<1x1024xf32> to vector<1x1024xf32>
      %broadcast_in_dim3A_234 = vector.broadcast %broadcast_in_dim3A_233 : vector<1x1024xf32> to vector<8x1024xf32>
      %select_n3A_235 = arith.select %eq3A_232, %broadcast_in_dim3A_234, %concatenate3A : vector<8x1024xi1>, vector<8x1024xf32>
      %select_n3A_236 = arith.select %lt3A_230, %get3A_216, %select_n3A_235 : vector<8x1024xi1>, vector<8x1024xf32>
      %swap3A_237 = arith.constant 0 : index
      %swap3A_238 = arith.constant 0 : index
      %swap3A_239 = vector.load %arg3[%swap3A_237, %swap3A_238] : memref<8x1024xf32, #tpu.memory_space<vmem>>, vector<8x1024xf32>
      tpu.vector_store %arg3[%swap3A_237, %swap3A_238], %select_n3A_236 {strides = array<i32>} : memref<8x1024xf32, #tpu.memory_space<vmem>>, vector<8x1024xf32>,
      %lt3A_240 = vector.broadcast %broadcast_in_dim3A_225 : vector<1x1024xi32> to vector<8x1024xi32>
      %lt3A_241 = arith.cmpi slt, %iota3A, %lt3A_240 : vector<8x1024xi32>
      %eq3A_242 = vector.broadcast %broadcast_in_dim3A_225 : vector<1x1024xi32> to vector<8x1024xi32>
      %eq3A_243 = arith.cmpi eq, %iota3A, %eq3A_242 : vector<8x1024xi32>
      %broadcast_in_dim3A_244 = vector.shape_cast %add3A_221 : vector<1x1024xi32> to vector<1x1024xi32>
      %broadcast_in_dim3A_245 = vector.broadcast %broadcast_in_dim3A_244 : vector<1x1024xi32> to vector<8x1024xi32>
      %select_n3A_246 = arith.select %eq3A_243, %broadcast_in_dim3A_245, %concatenate3A_229 : vector<8x1024xi1>, vector<8x1024xi32>
      %select_n3A_247 = arith.select %lt3A_241, %get3A_219, %select_n3A_246 : vector<8x1024xi1>, vector<8x1024xi32>
      %swap3A_248 = arith.constant 0 : index
      %swap3A_249 = arith.constant 0 : index
      %swap3A_250 = vector.load %arg4[%swap3A_248, %swap3A_249] : memref<8x1024xi32, #tpu.memory_space<vmem>>, vector<8x1024xi32>
      tpu.vector_store %arg4[%swap3A_248, %swap3A_249], %select_n3A_247 {strides = array<i32>} : memref<8x1024xi32, #tpu.memory_space<vmem>>, vector<8x1024xi32>,
    } else {
    }
    %get3A_100 = arith.constant 0 : index
    %get3A_101 = arith.constant 0 : index
    %get3A_102 = vector.load %arg6[%get3A_100, %get3A_101] : memref<1x1024xf32, #tpu.memory_space<vmem>>, vector<1x1024xf32>
    %get3A_103 = arith.constant 7 : index
    %get3A_104 = arith.constant 0 : index
    %get3A_105 = vector.load %arg3[%get3A_103, %get3A_104] : memref<8x1024xf32, #tpu.memory_space<vmem>>, vector<1x1024xf32>
    %gt3A_106 = arith.cmpf ogt, %get3A_102, %get3A_105 : vector<1x1024xf32>
    %reduce_or3A_107 = arith.constant 1.000000e+00 : f32
    %reduce_or3A_108 = arith.constant 0.000000e+00 : f32
    %reduce_or3A_109 = vector.broadcast %reduce_or3A_107 : f32 to vector<1x1024xf32>
    %reduce_or3A_110 = vector.broadcast %reduce_or3A_108 : f32 to vector<1x1024xf32>
    %reduce_or3A_111 = arith.select %gt3A_106, %reduce_or3A_109, %reduce_or3A_110 : vector<1x1024xi1>, vector<1x1024xf32>
    %reduce_or3A_112 = vector.shape_cast %reduce_or3A_111 : vector<1x1024xf32> to vector<1x1x1024xf32>
    %reduce_or3A_113 = arith.constant dense<0xFF800000> : vector<1xf32>
    %reduce_or3A_114 = vector.multi_reduction <maximumf>, %reduce_or3A_112, %reduce_or3A_113 [1, 2] : vector<1x1x1024xf32> to vector<1xf32>
    %reduce_or3A_115 = vector.shape_cast %reduce_or3A_114 : vector<1xf32> to vector<1x1x1xf32>
    %reduce_or3A_116 = vector.extract %reduce_or3A_115[0, 0, 0] : f32 from vector<1x1x1xf32>
    %reduce_or3A_117 = arith.constant 0.000000e+00 : f32
    %reduce_or3A_118 = arith.cmpf ogt, %reduce_or3A_116, %reduce_or3A_117 : f32
    %convert_element_type3A_119 = arith.extui %reduce_or3A_118 : i1 to i32
    %cond3A_120 = arith.constant 0 : i32
    %cond3A_121 = arith.cmpi ne, %convert_element_type3A_119, %cond3A_120 : i32
    scf.if %cond3A_121 {
      %get3A_188 = arith.constant 0 : index
      %get3A_189 = arith.constant 0 : index
      %get3A_190 = vector.load %arg5[%get3A_188, %get3A_189] : memref<2000x1024xf32, #tpu.memory_space<vmem>>, vector<2000x1024xf32>
      %get3A_191 = arith.constant 0 : index
      %get3A_192 = arith.constant 0 : index
      %get3A_193 = vector.load %arg6[%get3A_191, %get3A_192] : memref<1x1024xf32, #tpu.memory_space<vmem>>, vector<1x1024xf32>
      %iota3A_194 = tpu.iota {dimensions = array<i32: 0>} : vector<2000x1024xi32>
      %eq3A_195 = vector.broadcast %get3A_193 : vector<1x1024xf32> to vector<2000x1024xf32>
      %eq3A_196 = arith.cmpf oeq, %get3A_190, %eq3A_195 : vector<2000x1024xf32>
      %jit3A = arith.constant 2000 : i32
      %broadcast_in_dim3A_197 = vector.broadcast %jit3A : i32 to vector<2000x1024xi32>
      %select_n3A = arith.select %eq3A_196, %iota3A_194, %broadcast_in_dim3A_197 : vector<2000x1024xi1>, vector<2000x1024xi32>
      %reduce_min3A = arith.constant dense<2147483647> : vector<1024xi32>
      %reduce_min3A_198 = vector.multi_reduction <minsi>, %select_n3A, %reduce_min3A [0] : vector<2000x1024xi32> to vector<1024xi32>
      %broadcast_in_dim3A_199 = vector.shape_cast %reduce_min3A_198 : vector<1024xi32> to vector<1x1024xi32>
      %eq3A_200 = vector.broadcast %broadcast_in_dim3A_199 : vector<1x1024xi32> to vector<2000x1024xi32>
      %eq3A_201 = arith.cmpi eq, %iota3A_194, %eq3A_200 : vector<2000x1024xi32>
      %jit3A_202 = arith.constant -1.000000e+30 : f32
      %broadcast_in_dim3A_203 = vector.broadcast %jit3A_202 : f32 to vector<2000x1024xf32>
      %select_n3A_204 = arith.select %eq3A_201, %broadcast_in_dim3A_203, %get3A_190 : vector<2000x1024xi1>, vector<2000x1024xf32>
      %swap3A_205 = arith.constant 0 : index
      %swap3A_206 = arith.constant 0 : index
      %swap3A_207 = vector.load %arg5[%swap3A_205, %swap3A_206] : memref<2000x1024xf32, #tpu.memory_space<vmem>>, vector<2000x1024xf32>
      tpu.vector_store %arg5[%swap3A_205, %swap3A_206], %select_n3A_204 {strides = array<i32>} : memref<2000x1024xf32, #tpu.memory_space<vmem>>, vector<2000x1024xf32>,
      %reduce_max3A_208 = arith.constant dense<0xFF800000> : vector<1024xf32>
      %reduce_max3A_209 = vector.multi_reduction <maximumf>, %select_n3A_204, %reduce_max3A_208 [0] : vector<2000x1024xf32> to vector<1024xf32>
      %broadcast_in_dim3A_210 = vector.shape_cast %reduce_max3A_209 : vector<1024xf32> to vector<1x1024xf32>
      %swap3A_211 = arith.constant 0 : index
      %swap3A_212 = arith.constant 0 : index
      %swap3A_213 = vector.load %arg6[%swap3A_211, %swap3A_212] : memref<1x1024xf32, #tpu.memory_space<vmem>>, vector<1x1024xf32>
      tpu.vector_store %arg6[%swap3A_211, %swap3A_212], %broadcast_in_dim3A_210 {strides = array<i32>} : memref<1x1024xf32, #tpu.memory_space<vmem>>, vector<1x1024xf32>,
      %get3A_214 = arith.constant 0 : index
      %get3A_215 = arith.constant 0 : index
      %get3A_216 = vector.load %arg3[%get3A_214, %get3A_215] : memref<8x1024xf32, #tpu.memory_space<vmem>>, vector<8x1024xf32>
      %get3A_217 = arith.constant 0 : index
      %get3A_218 = arith.constant 0 : index
      %get3A_219 = vector.load %arg4[%get3A_217, %get3A_218] : memref<8x1024xi32, #tpu.memory_space<vmem>>, vector<8x1024xi32>
      %mul3A = arith.constant 2000 : i32
      %mul3A_220 = arith.muli %arg0, %mul3A : i32
      %add3A = vector.broadcast %mul3A_220 : i32 to vector<1x1024xi32>
      %add3A_221 = arith.addi %broadcast_in_dim3A_199, %add3A : vector<1x1024xi32>
      %ge3A = vector.broadcast %get3A_193 : vector<1x1024xf32> to vector<8x1024xf32>
      %ge3A_222 = arith.cmpf oge, %get3A_216, %ge3A : vector<8x1024xf32>
      %convert_element_type3A_223 = arith.extui %ge3A_222 : vector<8x1024xi1> to vector<8x1024xi32>
      %reduce_sum3A = arith.constant dense<0> : vector<1024xi32>
      %reduce_sum3A_224 = vector.multi_reduction <add>, %convert_element_type3A_223, %reduce_sum3A [0] : vector<8x1024xi32> to vector<1024xi32>
      %broadcast_in_dim3A_225 = vector.shape_cast %reduce_sum3A_224 : vector<1024xi32> to vector<1x1024xi32>
      %slice3A = vector.extract_strided_slice %get3A_216 {offsets = [0, 0], sizes = [1, 1024], strides = [1, 1]} : vector<8x1024xf32> to vector<1x1024xf32>
      %slice3A_226 = vector.extract_strided_slice %get3A_216 {offsets = [0, 0], sizes = [7, 1024], strides = [1, 1]} : vector<8x1024xf32> to vector<7x1024xf32>
      %concatenate3A = tpu.concatenate %slice3A, %slice3A_226 in 0 : vector<1x1024xf32>, vector<7x1024xf32> -> vector<8x1024xf32>
      %slice3A_227 = vector.extract_strided_slice %get3A_219 {offsets = [0, 0], sizes = [1, 1024], strides = [1, 1]} : vector<8x1024xi32> to vector<1x1024xi32>
      %slice3A_228 = vector.extract_strided_slice %get3A_219 {offsets = [0, 0], sizes = [7, 1024], strides = [1, 1]} : vector<8x1024xi32> to vector<7x1024xi32>
      %concatenate3A_229 = tpu.concatenate %slice3A_227, %slice3A_228 in 0 : vector<1x1024xi32>, vector<7x1024xi32> -> vector<8x1024xi32>
      %lt3A = vector.broadcast %broadcast_in_dim3A_225 : vector<1x1024xi32> to vector<8x1024xi32>
      %lt3A_230 = arith.cmpi slt, %iota3A, %lt3A : vector<8x1024xi32>
      %eq3A_231 = vector.broadcast %broadcast_in_dim3A_225 : vector<1x1024xi32> to vector<8x1024xi32>
      %eq3A_232 = arith.cmpi eq, %iota3A, %eq3A_231 : vector<8x1024xi32>
      %broadcast_in_dim3A_233 = vector.shape_cast %get3A_193 : vector<1x1024xf32> to vector<1x1024xf32>
      %broadcast_in_dim3A_234 = vector.broadcast %broadcast_in_dim3A_233 : vector<1x1024xf32> to vector<8x1024xf32>
      %select_n3A_235 = arith.select %eq3A_232, %broadcast_in_dim3A_234, %concatenate3A : vector<8x1024xi1>, vector<8x1024xf32>
      %select_n3A_236 = arith.select %lt3A_230, %get3A_216, %select_n3A_235 : vector<8x1024xi1>, vector<8x1024xf32>
      %swap3A_237 = arith.constant 0 : index
      %swap3A_238 = arith.constant 0 : index
      %swap3A_239 = vector.load %arg3[%swap3A_237, %swap3A_238] : memref<8x1024xf32, #tpu.memory_space<vmem>>, vector<8x1024xf32>
      tpu.vector_store %arg3[%swap3A_237, %swap3A_238], %select_n3A_236 {strides = array<i32>} : memref<8x1024xf32, #tpu.memory_space<vmem>>, vector<8x1024xf32>,
      %lt3A_240 = vector.broadcast %broadcast_in_dim3A_225 : vector<1x1024xi32> to vector<8x1024xi32>
      %lt3A_241 = arith.cmpi slt, %iota3A, %lt3A_240 : vector<8x1024xi32>
      %eq3A_242 = vector.broadcast %broadcast_in_dim3A_225 : vector<1x1024xi32> to vector<8x1024xi32>
      %eq3A_243 = arith.cmpi eq, %iota3A, %eq3A_242 : vector<8x1024xi32>
      %broadcast_in_dim3A_244 = vector.shape_cast %add3A_221 : vector<1x1024xi32> to vector<1x1024xi32>
      %broadcast_in_dim3A_245 = vector.broadcast %broadcast_in_dim3A_244 : vector<1x1024xi32> to vector<8x1024xi32>
      %select_n3A_246 = arith.select %eq3A_243, %broadcast_in_dim3A_245, %concatenate3A_229 : vector<8x1024xi1>, vector<8x1024xi32>
      %select_n3A_247 = arith.select %lt3A_241, %get3A_219, %select_n3A_246 : vector<8x1024xi1>, vector<8x1024xi32>
      %swap3A_248 = arith.constant 0 : index
      %swap3A_249 = arith.constant 0 : index
      %swap3A_250 = vector.load %arg4[%swap3A_248, %swap3A_249] : memref<8x1024xi32, #tpu.memory_space<vmem>>, vector<8x1024xi32>
      tpu.vector_store %arg4[%swap3A_248, %swap3A_249], %select_n3A_247 {strides = array<i32>} : memref<8x1024xi32, #tpu.memory_space<vmem>>, vector<8x1024xi32>,
    } else {
    }
    %get3A_122 = arith.constant 0 : index
    %get3A_123 = arith.constant 0 : index
    %get3A_124 = vector.load %arg6[%get3A_122, %get3A_123] : memref<1x1024xf32, #tpu.memory_space<vmem>>, vector<1x1024xf32>
    %get3A_125 = arith.constant 7 : index
    %get3A_126 = arith.constant 0 : index
    %get3A_127 = vector.load %arg3[%get3A_125, %get3A_126] : memref<8x1024xf32, #tpu.memory_space<vmem>>, vector<1x1024xf32>
    %gt3A_128 = arith.cmpf ogt, %get3A_124, %get3A_127 : vector<1x1024xf32>
    %reduce_or3A_129 = arith.constant 1.000000e+00 : f32
    %reduce_or3A_130 = arith.constant 0.000000e+00 : f32
    %reduce_or3A_131 = vector.broadcast %reduce_or3A_129 : f32 to vector<1x1024xf32>
    %reduce_or3A_132 = vector.broadcast %reduce_or3A_130 : f32 to vector<1x1024xf32>
    %reduce_or3A_133 = arith.select %gt3A_128, %reduce_or3A_131, %reduce_or3A_132 : vector<1x1024xi1>, vector<1x1024xf32>
    %reduce_or3A_134 = vector.shape_cast %reduce_or3A_133 : vector<1x1024xf32> to vector<1x1x1024xf32>
    %reduce_or3A_135 = arith.constant dense<0xFF800000> : vector<1xf32>
    %reduce_or3A_136 = vector.multi_reduction <maximumf>, %reduce_or3A_134, %reduce_or3A_135 [1, 2] : vector<1x1x1024xf32> to vector<1xf32>
    %reduce_or3A_137 = vector.shape_cast %reduce_or3A_136 : vector<1xf32> to vector<1x1x1xf32>
    %reduce_or3A_138 = vector.extract %reduce_or3A_137[0, 0, 0] : f32 from vector<1x1x1xf32>
    %reduce_or3A_139 = arith.constant 0.000000e+00 : f32
    %reduce_or3A_140 = arith.cmpf ogt, %reduce_or3A_138, %reduce_or3A_139 : f32
    %convert_element_type3A_141 = arith.extui %reduce_or3A_140 : i1 to i32
    %cond3A_142 = arith.constant 0 : i32
    %cond3A_143 = arith.cmpi ne, %convert_element_type3A_141, %cond3A_142 : i32
    scf.if %cond3A_143 {
      %get3A_188 = arith.constant 0 : index
      %get3A_189 = arith.constant 0 : index
      %get3A_190 = vector.load %arg5[%get3A_188, %get3A_189] : memref<2000x1024xf32, #tpu.memory_space<vmem>>, vector<2000x1024xf32>
      %get3A_191 = arith.constant 0 : index
      %get3A_192 = arith.constant 0 : index
      %get3A_193 = vector.load %arg6[%get3A_191, %get3A_192] : memref<1x1024xf32, #tpu.memory_space<vmem>>, vector<1x1024xf32>
      %iota3A_194 = tpu.iota {dimensions = array<i32: 0>} : vector<2000x1024xi32>
      %eq3A_195 = vector.broadcast %get3A_193 : vector<1x1024xf32> to vector<2000x1024xf32>
      %eq3A_196 = arith.cmpf oeq, %get3A_190, %eq3A_195 : vector<2000x1024xf32>
      %jit3A = arith.constant 2000 : i32
      %broadcast_in_dim3A_197 = vector.broadcast %jit3A : i32 to vector<2000x1024xi32>
      %select_n3A = arith.select %eq3A_196, %iota3A_194, %broadcast_in_dim3A_197 : vector<2000x1024xi1>, vector<2000x1024xi32>
      %reduce_min3A = arith.constant dense<2147483647> : vector<1024xi32>
      %reduce_min3A_198 = vector.multi_reduction <minsi>, %select_n3A, %reduce_min3A [0] : vector<2000x1024xi32> to vector<1024xi32>
      %broadcast_in_dim3A_199 = vector.shape_cast %reduce_min3A_198 : vector<1024xi32> to vector<1x1024xi32>
      %eq3A_200 = vector.broadcast %broadcast_in_dim3A_199 : vector<1x1024xi32> to vector<2000x1024xi32>
      %eq3A_201 = arith.cmpi eq, %iota3A_194, %eq3A_200 : vector<2000x1024xi32>
      %jit3A_202 = arith.constant -1.000000e+30 : f32
      %broadcast_in_dim3A_203 = vector.broadcast %jit3A_202 : f32 to vector<2000x1024xf32>
      %select_n3A_204 = arith.select %eq3A_201, %broadcast_in_dim3A_203, %get3A_190 : vector<2000x1024xi1>, vector<2000x1024xf32>
      %swap3A_205 = arith.constant 0 : index
      %swap3A_206 = arith.constant 0 : index
      %swap3A_207 = vector.load %arg5[%swap3A_205, %swap3A_206] : memref<2000x1024xf32, #tpu.memory_space<vmem>>, vector<2000x1024xf32>
      tpu.vector_store %arg5[%swap3A_205, %swap3A_206], %select_n3A_204 {strides = array<i32>} : memref<2000x1024xf32, #tpu.memory_space<vmem>>, vector<2000x1024xf32>,
      %reduce_max3A_208 = arith.constant dense<0xFF800000> : vector<1024xf32>
      %reduce_max3A_209 = vector.multi_reduction <maximumf>, %select_n3A_204, %reduce_max3A_208 [0] : vector<2000x1024xf32> to vector<1024xf32>
      %broadcast_in_dim3A_210 = vector.shape_cast %reduce_max3A_209 : vector<1024xf32> to vector<1x1024xf32>
      %swap3A_211 = arith.constant 0 : index
      %swap3A_212 = arith.constant 0 : index
      %swap3A_213 = vector.load %arg6[%swap3A_211, %swap3A_212] : memref<1x1024xf32, #tpu.memory_space<vmem>>, vector<1x1024xf32>
      tpu.vector_store %arg6[%swap3A_211, %swap3A_212], %broadcast_in_dim3A_210 {strides = array<i32>} : memref<1x1024xf32, #tpu.memory_space<vmem>>, vector<1x1024xf32>,
      %get3A_214 = arith.constant 0 : index
      %get3A_215 = arith.constant 0 : index
      %get3A_216 = vector.load %arg3[%get3A_214, %get3A_215] : memref<8x1024xf32, #tpu.memory_space<vmem>>, vector<8x1024xf32>
      %get3A_217 = arith.constant 0 : index
      %get3A_218 = arith.constant 0 : index
      %get3A_219 = vector.load %arg4[%get3A_217, %get3A_218] : memref<8x1024xi32, #tpu.memory_space<vmem>>, vector<8x1024xi32>
      %mul3A = arith.constant 2000 : i32
      %mul3A_220 = arith.muli %arg0, %mul3A : i32
      %add3A = vector.broadcast %mul3A_220 : i32 to vector<1x1024xi32>
      %add3A_221 = arith.addi %broadcast_in_dim3A_199, %add3A : vector<1x1024xi32>
      %ge3A = vector.broadcast %get3A_193 : vector<1x1024xf32> to vector<8x1024xf32>
      %ge3A_222 = arith.cmpf oge, %get3A_216, %ge3A : vector<8x1024xf32>
      %convert_element_type3A_223 = arith.extui %ge3A_222 : vector<8x1024xi1> to vector<8x1024xi32>
      %reduce_sum3A = arith.constant dense<0> : vector<1024xi32>
      %reduce_sum3A_224 = vector.multi_reduction <add>, %convert_element_type3A_223, %reduce_sum3A [0] : vector<8x1024xi32> to vector<1024xi32>
      %broadcast_in_dim3A_225 = vector.shape_cast %reduce_sum3A_224 : vector<1024xi32> to vector<1x1024xi32>
      %slice3A = vector.extract_strided_slice %get3A_216 {offsets = [0, 0], sizes = [1, 1024], strides = [1, 1]} : vector<8x1024xf32> to vector<1x1024xf32>
      %slice3A_226 = vector.extract_strided_slice %get3A_216 {offsets = [0, 0], sizes = [7, 1024], strides = [1, 1]} : vector<8x1024xf32> to vector<7x1024xf32>
      %concatenate3A = tpu.concatenate %slice3A, %slice3A_226 in 0 : vector<1x1024xf32>, vector<7x1024xf32> -> vector<8x1024xf32>
      %slice3A_227 = vector.extract_strided_slice %get3A_219 {offsets = [0, 0], sizes = [1, 1024], strides = [1, 1]} : vector<8x1024xi32> to vector<1x1024xi32>
      %slice3A_228 = vector.extract_strided_slice %get3A_219 {offsets = [0, 0], sizes = [7, 1024], strides = [1, 1]} : vector<8x1024xi32> to vector<7x1024xi32>
      %concatenate3A_229 = tpu.concatenate %slice3A_227, %slice3A_228 in 0 : vector<1x1024xi32>, vector<7x1024xi32> -> vector<8x1024xi32>
      %lt3A = vector.broadcast %broadcast_in_dim3A_225 : vector<1x1024xi32> to vector<8x1024xi32>
      %lt3A_230 = arith.cmpi slt, %iota3A, %lt3A : vector<8x1024xi32>
      %eq3A_231 = vector.broadcast %broadcast_in_dim3A_225 : vector<1x1024xi32> to vector<8x1024xi32>
      %eq3A_232 = arith.cmpi eq, %iota3A, %eq3A_231 : vector<8x1024xi32>
      %broadcast_in_dim3A_233 = vector.shape_cast %get3A_193 : vector<1x1024xf32> to vector<1x1024xf32>
      %broadcast_in_dim3A_234 = vector.broadcast %broadcast_in_dim3A_233 : vector<1x1024xf32> to vector<8x1024xf32>
      %select_n3A_235 = arith.select %eq3A_232, %broadcast_in_dim3A_234, %concatenate3A : vector<8x1024xi1>, vector<8x1024xf32>
      %select_n3A_236 = arith.select %lt3A_230, %get3A_216, %select_n3A_235 : vector<8x1024xi1>, vector<8x1024xf32>
      %swap3A_237 = arith.constant 0 : index
      %swap3A_238 = arith.constant 0 : index
      %swap3A_239 = vector.load %arg3[%swap3A_237, %swap3A_238] : memref<8x1024xf32, #tpu.memory_space<vmem>>, vector<8x1024xf32>
      tpu.vector_store %arg3[%swap3A_237, %swap3A_238], %select_n3A_236 {strides = array<i32>} : memref<8x1024xf32, #tpu.memory_space<vmem>>, vector<8x1024xf32>,
      %lt3A_240 = vector.broadcast %broadcast_in_dim3A_225 : vector<1x1024xi32> to vector<8x1024xi32>
      %lt3A_241 = arith.cmpi slt, %iota3A, %lt3A_240 : vector<8x1024xi32>
      %eq3A_242 = vector.broadcast %broadcast_in_dim3A_225 : vector<1x1024xi32> to vector<8x1024xi32>
      %eq3A_243 = arith.cmpi eq, %iota3A, %eq3A_242 : vector<8x1024xi32>
      %broadcast_in_dim3A_244 = vector.shape_cast %add3A_221 : vector<1x1024xi32> to vector<1x1024xi32>
      %broadcast_in_dim3A_245 = vector.broadcast %broadcast_in_dim3A_244 : vector<1x1024xi32> to vector<8x1024xi32>
      %select_n3A_246 = arith.select %eq3A_243, %broadcast_in_dim3A_245, %concatenate3A_229 : vector<8x1024xi1>, vector<8x1024xi32>
      %select_n3A_247 = arith.select %lt3A_241, %get3A_219, %select_n3A_246 : vector<8x1024xi1>, vector<8x1024xi32>
      %swap3A_248 = arith.constant 0 : index
      %swap3A_249 = arith.constant 0 : index
      %swap3A_250 = vector.load %arg4[%swap3A_248, %swap3A_249] : memref<8x1024xi32, #tpu.memory_space<vmem>>, vector<8x1024xi32>
      tpu.vector_store %arg4[%swap3A_248, %swap3A_249], %select_n3A_247 {strides = array<i32>} : memref<8x1024xi32, #tpu.memory_space<vmem>>, vector<8x1024xi32>,
    } else {
    }
    %get3A_144 = arith.constant 0 : index
    %get3A_145 = arith.constant 0 : index
    %get3A_146 = vector.load %arg6[%get3A_144, %get3A_145] : memref<1x1024xf32, #tpu.memory_space<vmem>>, vector<1x1024xf32>
    %get3A_147 = arith.constant 7 : index
    %get3A_148 = arith.constant 0 : index
    %get3A_149 = vector.load %arg3[%get3A_147, %get3A_148] : memref<8x1024xf32, #tpu.memory_space<vmem>>, vector<1x1024xf32>
    %gt3A_150 = arith.cmpf ogt, %get3A_146, %get3A_149 : vector<1x1024xf32>
    %reduce_or3A_151 = arith.constant 1.000000e+00 : f32
    %reduce_or3A_152 = arith.constant 0.000000e+00 : f32
    %reduce_or3A_153 = vector.broadcast %reduce_or3A_151 : f32 to vector<1x1024xf32>
    %reduce_or3A_154 = vector.broadcast %reduce_or3A_152 : f32 to vector<1x1024xf32>
    %reduce_or3A_155 = arith.select %gt3A_150, %reduce_or3A_153, %reduce_or3A_154 : vector<1x1024xi1>, vector<1x1024xf32>
    %reduce_or3A_156 = vector.shape_cast %reduce_or3A_155 : vector<1x1024xf32> to vector<1x1x1024xf32>
    %reduce_or3A_157 = arith.constant dense<0xFF800000> : vector<1xf32>
    %reduce_or3A_158 = vector.multi_reduction <maximumf>, %reduce_or3A_156, %reduce_or3A_157 [1, 2] : vector<1x1x1024xf32> to vector<1xf32>
    %reduce_or3A_159 = vector.shape_cast %reduce_or3A_158 : vector<1xf32> to vector<1x1x1xf32>
    %reduce_or3A_160 = vector.extract %reduce_or3A_159[0, 0, 0] : f32 from vector<1x1x1xf32>
    %reduce_or3A_161 = arith.constant 0.000000e+00 : f32
    %reduce_or3A_162 = arith.cmpf ogt, %reduce_or3A_160, %reduce_or3A_161 : f32
    %convert_element_type3A_163 = arith.extui %reduce_or3A_162 : i1 to i32
    %cond3A_164 = arith.constant 0 : i32
    %cond3A_165 = arith.cmpi ne, %convert_element_type3A_163, %cond3A_164 : i32
    scf.if %cond3A_165 {
      %get3A_188 = arith.constant 0 : index
      %get3A_189 = arith.constant 0 : index
      %get3A_190 = vector.load %arg5[%get3A_188, %get3A_189] : memref<2000x1024xf32, #tpu.memory_space<vmem>>, vector<2000x1024xf32>
      %get3A_191 = arith.constant 0 : index
      %get3A_192 = arith.constant 0 : index
      %get3A_193 = vector.load %arg6[%get3A_191, %get3A_192] : memref<1x1024xf32, #tpu.memory_space<vmem>>, vector<1x1024xf32>
      %iota3A_194 = tpu.iota {dimensions = array<i32: 0>} : vector<2000x1024xi32>
      %eq3A_195 = vector.broadcast %get3A_193 : vector<1x1024xf32> to vector<2000x1024xf32>
      %eq3A_196 = arith.cmpf oeq, %get3A_190, %eq3A_195 : vector<2000x1024xf32>
      %jit3A = arith.constant 2000 : i32
      %broadcast_in_dim3A_197 = vector.broadcast %jit3A : i32 to vector<2000x1024xi32>
      %select_n3A = arith.select %eq3A_196, %iota3A_194, %broadcast_in_dim3A_197 : vector<2000x1024xi1>, vector<2000x1024xi32>
      %reduce_min3A = arith.constant dense<2147483647> : vector<1024xi32>
      %reduce_min3A_198 = vector.multi_reduction <minsi>, %select_n3A, %reduce_min3A [0] : vector<2000x1024xi32> to vector<1024xi32>
      %broadcast_in_dim3A_199 = vector.shape_cast %reduce_min3A_198 : vector<1024xi32> to vector<1x1024xi32>
      %eq3A_200 = vector.broadcast %broadcast_in_dim3A_199 : vector<1x1024xi32> to vector<2000x1024xi32>
      %eq3A_201 = arith.cmpi eq, %iota3A_194, %eq3A_200 : vector<2000x1024xi32>
      %jit3A_202 = arith.constant -1.000000e+30 : f32
      %broadcast_in_dim3A_203 = vector.broadcast %jit3A_202 : f32 to vector<2000x1024xf32>
      %select_n3A_204 = arith.select %eq3A_201, %broadcast_in_dim3A_203, %get3A_190 : vector<2000x1024xi1>, vector<2000x1024xf32>
      %swap3A_205 = arith.constant 0 : index
      %swap3A_206 = arith.constant 0 : index
      %swap3A_207 = vector.load %arg5[%swap3A_205, %swap3A_206] : memref<2000x1024xf32, #tpu.memory_space<vmem>>, vector<2000x1024xf32>
      tpu.vector_store %arg5[%swap3A_205, %swap3A_206], %select_n3A_204 {strides = array<i32>} : memref<2000x1024xf32, #tpu.memory_space<vmem>>, vector<2000x1024xf32>,
      %reduce_max3A_208 = arith.constant dense<0xFF800000> : vector<1024xf32>
      %reduce_max3A_209 = vector.multi_reduction <maximumf>, %select_n3A_204, %reduce_max3A_208 [0] : vector<2000x1024xf32> to vector<1024xf32>
      %broadcast_in_dim3A_210 = vector.shape_cast %reduce_max3A_209 : vector<1024xf32> to vector<1x1024xf32>
      %swap3A_211 = arith.constant 0 : index
      %swap3A_212 = arith.constant 0 : index
      %swap3A_213 = vector.load %arg6[%swap3A_211, %swap3A_212] : memref<1x1024xf32, #tpu.memory_space<vmem>>, vector<1x1024xf32>
      tpu.vector_store %arg6[%swap3A_211, %swap3A_212], %broadcast_in_dim3A_210 {strides = array<i32>} : memref<1x1024xf32, #tpu.memory_space<vmem>>, vector<1x1024xf32>,
      %get3A_214 = arith.constant 0 : index
      %get3A_215 = arith.constant 0 : index
      %get3A_216 = vector.load %arg3[%get3A_214, %get3A_215] : memref<8x1024xf32, #tpu.memory_space<vmem>>, vector<8x1024xf32>
      %get3A_217 = arith.constant 0 : index
      %get3A_218 = arith.constant 0 : index
      %get3A_219 = vector.load %arg4[%get3A_217, %get3A_218] : memref<8x1024xi32, #tpu.memory_space<vmem>>, vector<8x1024xi32>
      %mul3A = arith.constant 2000 : i32
      %mul3A_220 = arith.muli %arg0, %mul3A : i32
      %add3A = vector.broadcast %mul3A_220 : i32 to vector<1x1024xi32>
      %add3A_221 = arith.addi %broadcast_in_dim3A_199, %add3A : vector<1x1024xi32>
      %ge3A = vector.broadcast %get3A_193 : vector<1x1024xf32> to vector<8x1024xf32>
      %ge3A_222 = arith.cmpf oge, %get3A_216, %ge3A : vector<8x1024xf32>
      %convert_element_type3A_223 = arith.extui %ge3A_222 : vector<8x1024xi1> to vector<8x1024xi32>
      %reduce_sum3A = arith.constant dense<0> : vector<1024xi32>
      %reduce_sum3A_224 = vector.multi_reduction <add>, %convert_element_type3A_223, %reduce_sum3A [0] : vector<8x1024xi32> to vector<1024xi32>
      %broadcast_in_dim3A_225 = vector.shape_cast %reduce_sum3A_224 : vector<1024xi32> to vector<1x1024xi32>
      %slice3A = vector.extract_strided_slice %get3A_216 {offsets = [0, 0], sizes = [1, 1024], strides = [1, 1]} : vector<8x1024xf32> to vector<1x1024xf32>
      %slice3A_226 = vector.extract_strided_slice %get3A_216 {offsets = [0, 0], sizes = [7, 1024], strides = [1, 1]} : vector<8x1024xf32> to vector<7x1024xf32>
      %concatenate3A = tpu.concatenate %slice3A, %slice3A_226 in 0 : vector<1x1024xf32>, vector<7x1024xf32> -> vector<8x1024xf32>
      %slice3A_227 = vector.extract_strided_slice %get3A_219 {offsets = [0, 0], sizes = [1, 1024], strides = [1, 1]} : vector<8x1024xi32> to vector<1x1024xi32>
      %slice3A_228 = vector.extract_strided_slice %get3A_219 {offsets = [0, 0], sizes = [7, 1024], strides = [1, 1]} : vector<8x1024xi32> to vector<7x1024xi32>
      %concatenate3A_229 = tpu.concatenate %slice3A_227, %slice3A_228 in 0 : vector<1x1024xi32>, vector<7x1024xi32> -> vector<8x1024xi32>
      %lt3A = vector.broadcast %broadcast_in_dim3A_225 : vector<1x1024xi32> to vector<8x1024xi32>
      %lt3A_230 = arith.cmpi slt, %iota3A, %lt3A : vector<8x1024xi32>
      %eq3A_231 = vector.broadcast %broadcast_in_dim3A_225 : vector<1x1024xi32> to vector<8x1024xi32>
      %eq3A_232 = arith.cmpi eq, %iota3A, %eq3A_231 : vector<8x1024xi32>
      %broadcast_in_dim3A_233 = vector.shape_cast %get3A_193 : vector<1x1024xf32> to vector<1x1024xf32>
      %broadcast_in_dim3A_234 = vector.broadcast %broadcast_in_dim3A_233 : vector<1x1024xf32> to vector<8x1024xf32>
      %select_n3A_235 = arith.select %eq3A_232, %broadcast_in_dim3A_234, %concatenate3A : vector<8x1024xi1>, vector<8x1024xf32>
      %select_n3A_236 = arith.select %lt3A_230, %get3A_216, %select_n3A_235 : vector<8x1024xi1>, vector<8x1024xf32>
      %swap3A_237 = arith.constant 0 : index
      %swap3A_238 = arith.constant 0 : index
      %swap3A_239 = vector.load %arg3[%swap3A_237, %swap3A_238] : memref<8x1024xf32, #tpu.memory_space<vmem>>, vector<8x1024xf32>
      tpu.vector_store %arg3[%swap3A_237, %swap3A_238], %select_n3A_236 {strides = array<i32>} : memref<8x1024xf32, #tpu.memory_space<vmem>>, vector<8x1024xf32>,
      %lt3A_240 = vector.broadcast %broadcast_in_dim3A_225 : vector<1x1024xi32> to vector<8x1024xi32>
      %lt3A_241 = arith.cmpi slt, %iota3A, %lt3A_240 : vector<8x1024xi32>
      %eq3A_242 = vector.broadcast %broadcast_in_dim3A_225 : vector<1x1024xi32> to vector<8x1024xi32>
      %eq3A_243 = arith.cmpi eq, %iota3A, %eq3A_242 : vector<8x1024xi32>
      %broadcast_in_dim3A_244 = vector.shape_cast %add3A_221 : vector<1x1024xi32> to vector<1x1024xi32>
      %broadcast_in_dim3A_245 = vector.broadcast %broadcast_in_dim3A_244 : vector<1x1024xi32> to vector<8x1024xi32>
      %select_n3A_246 = arith.select %eq3A_243, %broadcast_in_dim3A_245, %concatenate3A_229 : vector<8x1024xi1>, vector<8x1024xi32>
      %select_n3A_247 = arith.select %lt3A_241, %get3A_219, %select_n3A_246 : vector<8x1024xi1>, vector<8x1024xi32>
      %swap3A_248 = arith.constant 0 : index
      %swap3A_249 = arith.constant 0 : index
      %swap3A_250 = vector.load %arg4[%swap3A_248, %swap3A_249] : memref<8x1024xi32, #tpu.memory_space<vmem>>, vector<8x1024xi32>
      tpu.vector_store %arg4[%swap3A_248, %swap3A_249], %select_n3A_247 {strides = array<i32>} : memref<8x1024xi32, #tpu.memory_space<vmem>>, vector<8x1024xi32>,
    } else {
    }
    %get3A_166 = arith.constant 0 : index
    %get3A_167 = arith.constant 0 : index
    %get3A_168 = vector.load %arg6[%get3A_166, %get3A_167] : memref<1x1024xf32, #tpu.memory_space<vmem>>, vector<1x1024xf32>
    %get3A_169 = arith.constant 7 : index
    %get3A_170 = arith.constant 0 : index
    %get3A_171 = vector.load %arg3[%get3A_169, %get3A_170] : memref<8x1024xf32, #tpu.memory_space<vmem>>, vector<1x1024xf32>
    %gt3A_172 = arith.cmpf ogt, %get3A_168, %get3A_171 : vector<1x1024xf32>
    %reduce_or3A_173 = arith.constant 1.000000e+00 : f32
    %reduce_or3A_174 = arith.constant 0.000000e+00 : f32
    %reduce_or3A_175 = vector.broadcast %reduce_or3A_173 : f32 to vector<1x1024xf32>
    %reduce_or3A_176 = vector.broadcast %reduce_or3A_174 : f32 to vector<1x1024xf32>
    %reduce_or3A_177 = arith.select %gt3A_172, %reduce_or3A_175, %reduce_or3A_176 : vector<1x1024xi1>, vector<1x1024xf32>
    %reduce_or3A_178 = vector.shape_cast %reduce_or3A_177 : vector<1x1024xf32> to vector<1x1x1024xf32>
    %reduce_or3A_179 = arith.constant dense<0xFF800000> : vector<1xf32>
    %reduce_or3A_180 = vector.multi_reduction <maximumf>, %reduce_or3A_178, %reduce_or3A_179 [1, 2] : vector<1x1x1024xf32> to vector<1xf32>
    %reduce_or3A_181 = vector.shape_cast %reduce_or3A_180 : vector<1xf32> to vector<1x1x1xf32>
    %reduce_or3A_182 = vector.extract %reduce_or3A_181[0, 0, 0] : f32 from vector<1x1x1xf32>
    %reduce_or3A_183 = arith.constant 0.000000e+00 : f32
    %reduce_or3A_184 = arith.cmpf ogt, %reduce_or3A_182, %reduce_or3A_183 : f32
    %convert_element_type3A_185 = arith.extui %reduce_or3A_184 : i1 to i32
    %cond3A_186 = arith.constant 0 : i32
    %cond3A_187 = arith.cmpi ne, %convert_element_type3A_185, %cond3A_186 : i32
    scf.if %cond3A_187 {
      %get3A_188 = arith.constant 0 : index
      %get3A_189 = arith.constant 0 : index
      %get3A_190 = vector.load %arg5[%get3A_188, %get3A_189] : memref<2000x1024xf32, #tpu.memory_space<vmem>>, vector<2000x1024xf32>
      %get3A_191 = arith.constant 0 : index
      %get3A_192 = arith.constant 0 : index
      %get3A_193 = vector.load %arg6[%get3A_191, %get3A_192] : memref<1x1024xf32, #tpu.memory_space<vmem>>, vector<1x1024xf32>
      %iota3A_194 = tpu.iota {dimensions = array<i32: 0>} : vector<2000x1024xi32>
      %eq3A_195 = vector.broadcast %get3A_193 : vector<1x1024xf32> to vector<2000x1024xf32>
      %eq3A_196 = arith.cmpf oeq, %get3A_190, %eq3A_195 : vector<2000x1024xf32>
      %jit3A = arith.constant 2000 : i32
      %broadcast_in_dim3A_197 = vector.broadcast %jit3A : i32 to vector<2000x1024xi32>
      %select_n3A = arith.select %eq3A_196, %iota3A_194, %broadcast_in_dim3A_197 : vector<2000x1024xi1>, vector<2000x1024xi32>
      %reduce_min3A = arith.constant dense<2147483647> : vector<1024xi32>
      %reduce_min3A_198 = vector.multi_reduction <minsi>, %select_n3A, %reduce_min3A [0] : vector<2000x1024xi32> to vector<1024xi32>
      %broadcast_in_dim3A_199 = vector.shape_cast %reduce_min3A_198 : vector<1024xi32> to vector<1x1024xi32>
      %eq3A_200 = vector.broadcast %broadcast_in_dim3A_199 : vector<1x1024xi32> to vector<2000x1024xi32>
      %eq3A_201 = arith.cmpi eq, %iota3A_194, %eq3A_200 : vector<2000x1024xi32>
      %jit3A_202 = arith.constant -1.000000e+30 : f32
      %broadcast_in_dim3A_203 = vector.broadcast %jit3A_202 : f32 to vector<2000x1024xf32>
      %select_n3A_204 = arith.select %eq3A_201, %broadcast_in_dim3A_203, %get3A_190 : vector<2000x1024xi1>, vector<2000x1024xf32>
      %swap3A_205 = arith.constant 0 : index
      %swap3A_206 = arith.constant 0 : index
      %swap3A_207 = vector.load %arg5[%swap3A_205, %swap3A_206] : memref<2000x1024xf32, #tpu.memory_space<vmem>>, vector<2000x1024xf32>
      tpu.vector_store %arg5[%swap3A_205, %swap3A_206], %select_n3A_204 {strides = array<i32>} : memref<2000x1024xf32, #tpu.memory_space<vmem>>, vector<2000x1024xf32>,
      %reduce_max3A_208 = arith.constant dense<0xFF800000> : vector<1024xf32>
      %reduce_max3A_209 = vector.multi_reduction <maximumf>, %select_n3A_204, %reduce_max3A_208 [0] : vector<2000x1024xf32> to vector<1024xf32>
      %broadcast_in_dim3A_210 = vector.shape_cast %reduce_max3A_209 : vector<1024xf32> to vector<1x1024xf32>
      %swap3A_211 = arith.constant 0 : index
      %swap3A_212 = arith.constant 0 : index
      %swap3A_213 = vector.load %arg6[%swap3A_211, %swap3A_212] : memref<1x1024xf32, #tpu.memory_space<vmem>>, vector<1x1024xf32>
      tpu.vector_store %arg6[%swap3A_211, %swap3A_212], %broadcast_in_dim3A_210 {strides = array<i32>} : memref<1x1024xf32, #tpu.memory_space<vmem>>, vector<1x1024xf32>,
      %get3A_214 = arith.constant 0 : index
      %get3A_215 = arith.constant 0 : index
      %get3A_216 = vector.load %arg3[%get3A_214, %get3A_215] : memref<8x1024xf32, #tpu.memory_space<vmem>>, vector<8x1024xf32>
      %get3A_217 = arith.constant 0 : index
      %get3A_218 = arith.constant 0 : index
      %get3A_219 = vector.load %arg4[%get3A_217, %get3A_218] : memref<8x1024xi32, #tpu.memory_space<vmem>>, vector<8x1024xi32>
      %mul3A = arith.constant 2000 : i32
      %mul3A_220 = arith.muli %arg0, %mul3A : i32
      %add3A = vector.broadcast %mul3A_220 : i32 to vector<1x1024xi32>
      %add3A_221 = arith.addi %broadcast_in_dim3A_199, %add3A : vector<1x1024xi32>
      %ge3A = vector.broadcast %get3A_193 : vector<1x1024xf32> to vector<8x1024xf32>
      %ge3A_222 = arith.cmpf oge, %get3A_216, %ge3A : vector<8x1024xf32>
      %convert_element_type3A_223 = arith.extui %ge3A_222 : vector<8x1024xi1> to vector<8x1024xi32>
      %reduce_sum3A = arith.constant dense<0> : vector<1024xi32>
      %reduce_sum3A_224 = vector.multi_reduction <add>, %convert_element_type3A_223, %reduce_sum3A [0] : vector<8x1024xi32> to vector<1024xi32>
      %broadcast_in_dim3A_225 = vector.shape_cast %reduce_sum3A_224 : vector<1024xi32> to vector<1x1024xi32>
      %slice3A = vector.extract_strided_slice %get3A_216 {offsets = [0, 0], sizes = [1, 1024], strides = [1, 1]} : vector<8x1024xf32> to vector<1x1024xf32>
      %slice3A_226 = vector.extract_strided_slice %get3A_216 {offsets = [0, 0], sizes = [7, 1024], strides = [1, 1]} : vector<8x1024xf32> to vector<7x1024xf32>
      %concatenate3A = tpu.concatenate %slice3A, %slice3A_226 in 0 : vector<1x1024xf32>, vector<7x1024xf32> -> vector<8x1024xf32>
      %slice3A_227 = vector.extract_strided_slice %get3A_219 {offsets = [0, 0], sizes = [1, 1024], strides = [1, 1]} : vector<8x1024xi32> to vector<1x1024xi32>
      %slice3A_228 = vector.extract_strided_slice %get3A_219 {offsets = [0, 0], sizes = [7, 1024], strides = [1, 1]} : vector<8x1024xi32> to vector<7x1024xi32>
      %concatenate3A_229 = tpu.concatenate %slice3A_227, %slice3A_228 in 0 : vector<1x1024xi32>, vector<7x1024xi32> -> vector<8x1024xi32>
      %lt3A = vector.broadcast %broadcast_in_dim3A_225 : vector<1x1024xi32> to vector<8x1024xi32>
      %lt3A_230 = arith.cmpi slt, %iota3A, %lt3A : vector<8x1024xi32>
      %eq3A_231 = vector.broadcast %broadcast_in_dim3A_225 : vector<1x1024xi32> to vector<8x1024xi32>
      %eq3A_232 = arith.cmpi eq, %iota3A, %eq3A_231 : vector<8x1024xi32>
      %broadcast_in_dim3A_233 = vector.shape_cast %get3A_193 : vector<1x1024xf32> to vector<1x1024xf32>
      %broadcast_in_dim3A_234 = vector.broadcast %broadcast_in_dim3A_233 : vector<1x1024xf32> to vector<8x1024xf32>
      %select_n3A_235 = arith.select %eq3A_232, %broadcast_in_dim3A_234, %concatenate3A : vector<8x1024xi1>, vector<8x1024xf32>
      %select_n3A_236 = arith.select %lt3A_230, %get3A_216, %select_n3A_235 : vector<8x1024xi1>, vector<8x1024xf32>
      %swap3A_237 = arith.constant 0 : index
      %swap3A_238 = arith.constant 0 : index
      %swap3A_239 = vector.load %arg3[%swap3A_237, %swap3A_238] : memref<8x1024xf32, #tpu.memory_space<vmem>>, vector<8x1024xf32>
      tpu.vector_store %arg3[%swap3A_237, %swap3A_238], %select_n3A_236 {strides = array<i32>} : memref<8x1024xf32, #tpu.memory_space<vmem>>, vector<8x1024xf32>,
      %lt3A_240 = vector.broadcast %broadcast_in_dim3A_225 : vector<1x1024xi32> to vector<8x1024xi32>
      %lt3A_241 = arith.cmpi slt, %iota3A, %lt3A_240 : vector<8x1024xi32>
      %eq3A_242 = vector.broadcast %broadcast_in_dim3A_225 : vector<1x1024xi32> to vector<8x1024xi32>
      %eq3A_243 = arith.cmpi eq, %iota3A, %eq3A_242 : vector<8x1024xi32>
      %broadcast_in_dim3A_244 = vector.shape_cast %add3A_221 : vector<1x1024xi32> to vector<1x1024xi32>
      %broadcast_in_dim3A_245 = vector.broadcast %broadcast_in_dim3A_244 : vector<1x1024xi32> to vector<8x1024xi32>
      %select_n3A_246 = arith.select %eq3A_243, %broadcast_in_dim3A_245, %concatenate3A_229 : vector<8x1024xi1>, vector<8x1024xi32>
      %select_n3A_247 = arith.select %lt3A_241, %get3A_219, %select_n3A_246 : vector<8x1024xi1>, vector<8x1024xi32>
      %swap3A_248 = arith.constant 0 : index
      %swap3A_249 = arith.constant 0 : index
      %swap3A_250 = vector.load %arg4[%swap3A_248, %swap3A_249] : memref<8x1024xi32, #tpu.memory_space<vmem>>, vector<8x1024xi32>
      tpu.vector_store %arg4[%swap3A_248, %swap3A_249], %select_n3A_247 {strides = array<i32>} : memref<8x1024xi32, #tpu.memory_space<vmem>>, vector<8x1024xi32>,
    } else {
    }
    return
  }
  func.func @transform_0(%arg0: i32) -> (i32, i32) {
    %c0_i32 = arith.constant 0 : i32
    %c0_i32_0 = arith.constant 0 : i32
    %c0_i32_1 = arith.constant 0 : i32
    return %c0_i32, %c0_i32_0 : i32, i32
  }
  func.func @transform_1(%arg0: i32) -> (i32, i32) {
    %c0_i32 = arith.constant 0 : i32
    %c0_i32_0 = arith.constant 0 : i32
    return %arg0, %c0_i32 : i32, i32
  }
  func.func @transform_2(%arg0: i32) -> (i32, i32) {
    %c0_i32 = arith.constant 0 : i32
    %c0_i32_0 = arith.constant 0 : i32
    %c0_i32_1 = arith.constant 0 : i32
    return %c0_i32, %c0_i32_0 : i32, i32
  }
  func.func @transform_3(%arg0: i32) -> (i32, i32) {
    %c0_i32 = arith.constant 0 : i32
    %c0_i32_0 = arith.constant 0 : i32
    %c0_i32_1 = arith.constant 0 : i32
    return %c0_i32, %c0_i32_0 : i32, i32
  }
}

module attributes {stable_mosaic.version = 14 : i64} {
  func.func @_finalize_body(%arg0: memref<8192x128xf32, #tpu.memory_space<vmem>>, %arg1: memref<1024x8xf32, #tpu.memory_space<vmem>>, %arg2: memref<1024x8x128xf32, #tpu.memory_space<vmem>>, %arg3: memref<1024x8xf32, #tpu.memory_space<vmem>>, %arg4: memref<1024x128xf32, #tpu.memory_space<vmem>>, %arg5: memref<1024x1xf32, #tpu.memory_space<vmem>>, %arg6: memref<1024x1xf32, #tpu.memory_space<vmem>>, %arg7: memref<1024x1xf32, #tpu.memory_space<vmem>>) attributes {dimension_semantics = [], scalar_prefetch = 0 : i64, scratch_operands = 0 : i64, tpu.core_type = #tpu.core_type<tc>} {
    %get3A = arith.constant 0 : index
    %get3A_0 = arith.constant 0 : index
    %get3A_1 = vector.load %arg0[%get3A, %get3A_0] : memref<8192x128xf32, #tpu.memory_space<vmem>>, vector<8192x128xf32>
    %reshape3A = vector.shape_cast %get3A_1 : vector<8192x128xf32> to vector<1024x8x128xf32>
    %swap3A = arith.constant 0 : index
    %swap3A_2 = arith.constant 0 : index
    %swap3A_3 = arith.constant 0 : index
    %swap3A_4 = vector.load %arg2[%swap3A, %swap3A_2, %swap3A_3] : memref<1024x8x128xf32, #tpu.memory_space<vmem>>, vector<1024x8x128xf32>
    tpu.vector_store %arg2[%swap3A, %swap3A_2, %swap3A_3], %reshape3A {strides = array<i32>} : memref<1024x8x128xf32, #tpu.memory_space<vmem>>, vector<1024x8x128xf32>,
    %get3A_5 = arith.constant 0 : index
    %get3A_6 = arith.constant 0 : index
    %get3A_7 = vector.load %arg1[%get3A_5, %get3A_6] : memref<1024x8xf32, #tpu.memory_space<vmem>>, vector<1024x8xf32>
    %reduce_max3A = arith.constant dense<0xFF800000> : vector<1024xf32>
    %reduce_max3A_8 = vector.multi_reduction <maximumf>, %get3A_7, %reduce_max3A [1] : vector<1024x8xf32> to vector<1024xf32>
    %broadcast_in_dim3A = vector.shape_cast %reduce_max3A_8 : vector<1024xf32> to vector<1024x1xf32>
    %sub3A = vector.broadcast %broadcast_in_dim3A : vector<1024x1xf32> to vector<1024x8xf32>
    %sub3A_9 = arith.subf %get3A_7, %sub3A : vector<1024x8xf32>
    %exp3A = math.exp %sub3A_9 : vector<1024x8xf32>
    %reduce_sum3A = arith.constant dense<0.000000e+00> : vector<1024xf32>
    %reduce_sum3A_10 = vector.multi_reduction <add>, %exp3A, %reduce_sum3A [1] : vector<1024x8xf32> to vector<1024xf32>
    %broadcast_in_dim3A_11 = vector.shape_cast %reduce_sum3A_10 : vector<1024xf32> to vector<1024x1xf32>
    %div3A = vector.broadcast %broadcast_in_dim3A_11 : vector<1024x1xf32> to vector<1024x8xf32>
    %div3A_12 = arith.divf %exp3A, %div3A : vector<1024x8xf32>
    %swap3A_13 = arith.constant 0 : index
    %swap3A_14 = arith.constant 0 : index
    %swap3A_15 = vector.load %arg3[%swap3A_13, %swap3A_14] : memref<1024x8xf32, #tpu.memory_space<vmem>>, vector<1024x8xf32>
    tpu.vector_store %arg3[%swap3A_13, %swap3A_14], %div3A_12 {strides = array<i32>} : memref<1024x8xf32, #tpu.memory_space<vmem>>, vector<1024x8xf32>,
    %broadcast_in_dim3A_16 = vector.shape_cast %div3A_12 : vector<1024x8xf32> to vector<1024x8x1xf32>
    %mul3A = vector.broadcast %broadcast_in_dim3A_16 : vector<1024x8x1xf32> to vector<1024x8x128xf32>
    %mul3A_17 = arith.mulf %mul3A, %reshape3A : vector<1024x8x128xf32>
    %reduce_sum3A_18 = arith.constant dense<0.000000e+00> : vector<1024x128xf32>
    %reduce_sum3A_19 = vector.multi_reduction <add>, %mul3A_17, %reduce_sum3A_18 [1] : vector<1024x8x128xf32> to vector<1024x128xf32>
    %mul3A_20 = arith.mulf %reduce_sum3A_19, %reduce_sum3A_19 : vector<1024x128xf32>
    %reduce_sum3A_21 = arith.constant dense<0.000000e+00> : vector<1024xf32>
    %reduce_sum3A_22 = vector.multi_reduction <add>, %mul3A_20, %reduce_sum3A_21 [1] : vector<1024x128xf32> to vector<1024xf32>
    %broadcast_in_dim3A_23 = vector.shape_cast %reduce_sum3A_22 : vector<1024xf32> to vector<1024x1xf32>
    %sqrt3A = math.sqrt %broadcast_in_dim3A_23 : vector<1024x1xf32>
    %max3A = arith.constant 9.99999996E-13 : f32
    %max3A_24 = vector.broadcast %max3A : f32 to vector<1024x1xf32>
    %max3A_25 = arith.maximumf %sqrt3A, %max3A_24 : vector<1024x1xf32>
    %div3A_26 = vector.broadcast %max3A_25 : vector<1024x1xf32> to vector<1024x128xf32>
    %div3A_27 = arith.divf %reduce_sum3A_19, %div3A_26 : vector<1024x128xf32>
    %swap3A_28 = arith.constant 0 : index
    %swap3A_29 = arith.constant 0 : index
    %swap3A_30 = vector.load %arg4[%swap3A_28, %swap3A_29] : memref<1024x128xf32, #tpu.memory_space<vmem>>, vector<1024x128xf32>
    tpu.vector_store %arg4[%swap3A_28, %swap3A_29], %div3A_27 {strides = array<i32>} : memref<1024x128xf32, #tpu.memory_space<vmem>>, vector<1024x128xf32>,
    %reduce_sum3A_31 = arith.constant dense<0.000000e+00> : vector<1024xf32>
    %reduce_sum3A_32 = vector.multi_reduction <add>, %div3A_12, %reduce_sum3A_31 [1] : vector<1024x8xf32> to vector<1024xf32>
    %broadcast_in_dim3A_33 = vector.shape_cast %reduce_sum3A_32 : vector<1024xf32> to vector<1024x1xf32>
    %max3A_34 = arith.constant 9.99999997E-7 : f32
    %max3A_35 = vector.broadcast %max3A_34 : f32 to vector<1024x1xf32>
    %max3A_36 = arith.maximumf %broadcast_in_dim3A_33, %max3A_35 : vector<1024x1xf32>
    %div3A_37 = vector.broadcast %max3A_36 : vector<1024x1xf32> to vector<1024x8xf32>
    %div3A_38 = arith.divf %div3A_12, %div3A_37 : vector<1024x8xf32>
    %max3A_39 = arith.constant 9.99999997E-7 : f32
    %max3A_40 = vector.broadcast %max3A_39 : f32 to vector<1024x8xf32>
    %max3A_41 = arith.maximumf %div3A_38, %max3A_40 : vector<1024x8xf32>
    %log3A = math.log %max3A_41 : vector<1024x8xf32>
    %mul3A_42 = arith.mulf %div3A_38, %log3A : vector<1024x8xf32>
    %reduce_sum3A_43 = arith.constant dense<0.000000e+00> : vector<1024xf32>
    %reduce_sum3A_44 = vector.multi_reduction <add>, %mul3A_42, %reduce_sum3A_43 [1] : vector<1024x8xf32> to vector<1024xf32>
    %broadcast_in_dim3A_45 = vector.shape_cast %reduce_sum3A_44 : vector<1024xf32> to vector<1024x1xf32>
    %neg3A = arith.constant 0.000000e+00 : f32
    %neg3A_46 = vector.broadcast %neg3A : f32 to vector<1024x1xf32>
    %neg3A_47 = arith.subf %neg3A_46, %broadcast_in_dim3A_45 : vector<1024x1xf32>
    %swap3A_48 = arith.constant 0 : index
    %swap3A_49 = arith.constant 0 : index
    %swap3A_50 = vector.load %arg7[%swap3A_48, %swap3A_49] : memref<1024x1xf32, #tpu.memory_space<vmem>>, vector<1024x1xf32>
    tpu.vector_store %arg7[%swap3A_48, %swap3A_49], %neg3A_47 {strides = array<i32>} : memref<1024x1xf32, #tpu.memory_space<vmem>>, vector<1024x1xf32>,
    %reduce_sum3A_51 = arith.constant dense<0.000000e+00> : vector<1024xf32>
    %reduce_sum3A_52 = vector.multi_reduction <add>, %get3A_7, %reduce_sum3A_51 [1] : vector<1024x8xf32> to vector<1024xf32>
    %broadcast_in_dim3A_53 = vector.shape_cast %reduce_sum3A_52 : vector<1024xf32> to vector<1024x1xf32>
    %div3A_54 = arith.constant 8.000000e+00 : f32
    %div3A_55 = vector.broadcast %div3A_54 : f32 to vector<1024x1xf32>
    %div3A_56 = arith.divf %broadcast_in_dim3A_53, %div3A_55 : vector<1024x1xf32>
    %swap3A_57 = arith.constant 0 : index
    %swap3A_58 = arith.constant 0 : index
    %swap3A_59 = vector.load %arg5[%swap3A_57, %swap3A_58] : memref<1024x1xf32, #tpu.memory_space<vmem>>, vector<1024x1xf32>
    tpu.vector_store %arg5[%swap3A_57, %swap3A_58], %div3A_56 {strides = array<i32>} : memref<1024x1xf32, #tpu.memory_space<vmem>>, vector<1024x1xf32>,
    %sub3A_60 = vector.broadcast %div3A_56 : vector<1024x1xf32> to vector<1024x8xf32>
    %sub3A_61 = arith.subf %get3A_7, %sub3A_60 : vector<1024x8xf32>
    %integer_pow3A = arith.mulf %sub3A_61, %sub3A_61 : vector<1024x8xf32>
    %reduce_sum3A_62 = arith.constant dense<0.000000e+00> : vector<1024xf32>
    %reduce_sum3A_63 = vector.multi_reduction <add>, %integer_pow3A, %reduce_sum3A_62 [1] : vector<1024x8xf32> to vector<1024xf32>
    %broadcast_in_dim3A_64 = vector.shape_cast %reduce_sum3A_63 : vector<1024xf32> to vector<1024x1xf32>
    %div3A_65 = arith.constant 8.000000e+00 : f32
    %div3A_66 = vector.broadcast %div3A_65 : f32 to vector<1024x1xf32>
    %div3A_67 = arith.divf %broadcast_in_dim3A_64, %div3A_66 : vector<1024x1xf32>
    %sqrt3A_68 = math.sqrt %div3A_67 : vector<1024x1xf32>
    %swap3A_69 = arith.constant 0 : index
    %swap3A_70 = arith.constant 0 : index
    %swap3A_71 = vector.load %arg6[%swap3A_69, %swap3A_70] : memref<1024x1xf32, #tpu.memory_space<vmem>>, vector<1024x1xf32>
    tpu.vector_store %arg6[%swap3A_69, %swap3A_70], %sqrt3A_68 {strides = array<i32>} : memref<1024x1xf32, #tpu.memory_space<vmem>>, vector<1024x1xf32>,
    return
  }
}

</mosaic_0001>

<sc_bundles>
// kernel: kernel.11.cloned.1.call-start
scs
__scs_entry_jumppad:
0x0: {  	(pc) =	sbr.rel $0x88, $3  }
0x1: {  	(tag) =	ssettag $0x0;
	lr =	simm.s32 $0x1  }
0x2: {  	[smem:$0x3F9A] =	sst lr;
	_ =	strace $0xD0000000  }
0x3: {  	_ = 	snop  }
0x4: {  	_ = 	snop  }
0x5: {  	_ = 	snop  }
0x6: {  	_ = 	snop  }
0x7: {  	_ = 	snop  }
__scs_overlays_trampoline_lowered:
0x8: {  	[smem:$0x3FA9] =	sst s0  }
0x9: {  	[smem:$0x3FAA] =	sst s1  }
0xa: {  	[smem:$0x3FAB] =	sst s2  }
0xb: {  	[smem:$0x3FAC] =	sst s3  }
0xc: {  	[smem:$0x3FAD] =	sst s4  }
0xd: {  	[smem:$0x3FAE] =	sst s5  }
0xe: {  	[smem:$0x3FAF] =	sst s6  }
0xf: {  	[smem:$0x3FB0] =	sst s7  }
0x10: {  	[smem:$0x3FB1] =	sst s8  }
0x11: {  	[smem:$0x3FB2] =	sst s9;
	s0 =	simm.s32 @!p0 $0x0  }
0x12: {  	s1 =	sld [smem:$0x3F98];
	s0 =	simm.s32 @p0 $0x1  }
0x13: {  	[smem:$0x3FB3] =	sst s0;
	s0 =	simm.s32 @!p1 $0x0  }
0x14: {  	s2 =	sld [smem:$0x3F97];
	s0 =	simm.s32 @p1 $0x1  }
0x15: {  	[smem:$0x3FB4] =	sst s0;
	s0 =	simm.s32 @!p2 $0x0  }
0x16: {  	s3 =	sld [smem:$0x3FDB];
	s0 =	simm.s32 @p2 $0x1  }
0x17: {  	s4 =	simm.s32 $0x1BF5;
	[smem:$0x3FB6] =	sst s0  }
0x18: {  	s0 =	sld [smem:$0x3F99];
	_ =	swait.ge [sflag:s4], $0x0  }
0x19: {  	s7 =	sld [smem:$0x3F9A]  }
0x1a: {  	s8 =	sadd.s32 $0xFFFFE003, lr  }
0x1b: {  	s9 =	sadd.s32 $0xFFFFFEF7, lr;
	s5 =	simm.s32 $0xFFFFFFFF;
	p2 =	slt.u32 s8, $0xFFFFF086  }
0x1c: {  	p1 =	slt.u32 s9, $0xF7A;
	s5 =	simm.s32 @!p2 $0x0  }
0x1d: {  	s5 =	simm.s32 @p1 $0x1;
	p0 =	seq.s32 s7, s2  }
0x1e: {  	s7 =	smul.u32 @!p0 $0xF7A, s2;
	p2 =	seq.s32 @!p0 s5, $0x0  }
0x1f: {  	s9 =	smul.u32 $0xF7A, s1;
	s8 =	simm.s32 @!p0 $0x1BF5;
	p2 =	por !p2, p0  }
0x20: {  	[sflag:s8] =	ssyncset.s32 @!p0 $0xFFFFF086;
	s6 =	sadd.s32 @!p0 s3, s7;
	s7 =	simm.s32 @!p0 $0x108  }
0x21: {  	s3 =	sadd.s32 s3, s9;
	s6 =	sadd.s32 @!p0 $0x88, s6;
	s7 =	simm.s32 @p2 $0x1082  }
0x22: {  	[simem:s7], [sflag:s8] =	dma.local @!p0 [hbm:s6], $0xF7A  }
0x23: {  	s9 =	sor.u32 $0xD0000000, s2;
	s6 =	simm.s32 $0x108;
	_ =	swait.ge @!p0 [sflag:s8], $0x0  }
0x24: {  	s3 =	sadd.s32 $0x88, s3;
	s6 =	simm.s32 @!p1 $0x1082;
	[sflag:s4] =	ssyncset.s32 $0xFFFFF086  }
0x25: {  	[simem:s6], [sflag:s4] =	dma.local [hbm:s3], $0xF7A  }
0x26: {  	[smem:$0x3F9A] =	sst s1;
	(tag) =	ssettag s2;
	_ =	strace s9  }
0x27: {  	s1 =	sld [smem:$0x3FAA]  }
0x28: {  	s2 =	sld [smem:$0x3FAB]  }
0x29: {  	s4 =	sld [smem:$0x3FAD]  }
0x2a: {  	p0 =	seq.s32 s5, $0x0;
	s5 =	sld [smem:$0x3FAE]  }
0x2b: {  	s6 =	sld [smem:$0x3FAF]  }
0x2c: {  	s7 =	sld [smem:$0x3FB0]  }
0x2d: {  	s3 =	simm.s32 $0x108;
	s8 =	sld [smem:$0x3FB1]  }
0x2e: {  	s3 =	simm.s32 @!p0 $0x1082;
	s9 =	sld [smem:$0x3FB2]  }
0x2f: {  	lr =	sadd.s32 s0, s3;
	s0 =	sld [smem:$0x3FA9]  }
0x30: {  	s3 =	sld [smem:$0x3FAC]  }
0x31: {  	[smem:$0x3FB5] =	sst s10  }
0x32: {  	s10 =	sld [smem:$0x3FB3];
	_ =	sdelay $0x3  }
0x33: {  	p0 =	seq.s32 s10, $0x1;
	s10 =	sld [smem:$0x3FB5];
	_ =	sdelay $0x3  }
0x34: {  	[smem:$0x3FB5] =	sst s10  }
0x35: {  	s10 =	sld [smem:$0x3FB4];
	_ =	sdelay $0x3  }
0x36: {  	p1 =	seq.s32 s10, $0x1;
	s10 =	sld [smem:$0x3FB5];
	_ =	sdelay $0x3  }
0x37: {  	[smem:$0x3FB5] =	sst s10  }
0x38: {  	s10 =	sld [smem:$0x3FB6]  }
0x39: {  	_ = 	snop;
	(pc) =	sbr.ind lr, $3  }
0x3a: {  	_ = 	snop  }
0x3b: {  	_ = 	snop  }
0x3c: {  	p2 =	seq.s32 s10, $0x1;
	s10 =	sld [smem:$0x3FB5]  }
0x3d: {  	_ =	shalt  }
0x3e: {  	_ =	shalt  }
0x3f: {  	_ =	shalt  }
0x40: {  	_ =	shalt  }
0x41: {  	_ =	shalt  }
0x42: {  	_ =	shalt  }
0x43: {  	_ =	shalt  }
0x44: {  	_ =	shalt  }
0x45: {  	_ =	shalt  }
0x46: {  	_ =	shalt  }
0x47: {  	_ =	shalt  }
0x48: {  	_ =	shalt  }
0x49: {  	_ =	shalt  }
0x4a: {  	_ =	shalt  }
0x4b: {  	_ =	shalt  }
0x4c: {  	_ =	shalt  }
0x4d: {  	_ =	shalt  }
0x4e: {  	_ =	shalt  }
0x4f: {  	_ =	shalt  }
0x50: {  	_ =	shalt  }
0x51: {  	_ =	shalt  }
0x52: {  	_ =	shalt  }
0x53: {  	_ =	shalt  }
0x54: {  	_ =	shalt  }
0x55: {  	_ =	shalt  }
0x56: {  	_ =	shalt  }
0x57: {  	_ =	shalt  }
0x58: {  	_ =	shalt  }
0x59: {  	_ =	shalt  }
0x5a: {  	_ =	shalt  }
0x5b: {  	_ =	shalt  }
0x5c: {  	_ =	shalt  }
0x5d: {  	_ =	shalt  }
0x5e: {  	_ =	shalt  }
0x5f: {  	_ =	shalt  }
0x60: {  	_ =	shalt  }
0x61: {  	_ =	shalt  }
0x62: {  	_ =	shalt  }
0x63: {  	_ =	shalt  }
0x64: {  	_ =	shalt  }
0x65: {  	_ =	shalt  }
0x66: {  	_ =	shalt  }
0x67: {  	_ =	shalt  }
0x68: {  	_ =	shalt  }
0x69: {  	_ =	shalt  }
0x6a: {  	_ =	shalt  }
0x6b: {  	_ =	shalt  }
0x6c: {  	_ =	shalt  }
0x6d: {  	_ =	shalt  }
0x6e: {  	_ =	shalt  }
0x6f: {  	_ =	shalt  }
0x70: {  	_ =	shalt  }
0x71: {  	_ =	shalt  }
0x72: {  	_ =	shalt  }
0x73: {  	_ =	shalt  }
0x74: {  	_ =	shalt  }
0x75: {  	_ =	shalt  }
0x76: {  	_ =	shalt  }
0x77: {  	_ =	shalt  }
0x78: {  	_ =	shalt  }
0x79: {  	_ =	shalt  }
0x7a: {  	_ =	shalt  }
0x7b: {  	_ =	shalt  }
0x7c: {  	_ =	shalt  }
0x7d: {  	_ =	shalt  }
0x7e: {  	_ =	shalt  }
0x7f: {  	_ =	shalt  }
0x80: {  	_ =	shalt  }
0x81: {  	_ =	shalt  }
0x82: {  	_ =	shalt  }
0x83: {  	_ =	shalt  }
0x84: {  	_ =	shalt  }
0x85: {  	_ =	shalt  }
0x86: {  	_ =	shalt  }
0x87: {  	_ =	shalt  }
.Lfunc_end0:
.L_simem_size_0:
called_computation.1_lowered:
.L_overlay_start_0:
0x88: {  	s2 =	sld [smem:$0x3FD9]  }
0x89: {  	s3 =	sld [smem:$0x3FFE];
	_ =	sdelay $0x1  }
0x8a: {  	s1 =	srdreg.scid  }
0x8b: {  	s0 =	sand.u32 $0x1, s1  }
0x8c: {  	s14 =	sshll.u32 s0, $0xA;
	s2 =	sadd.s32 s3, s2  }
0x8d: {  	s2 =	sadd.s32 s2, s14  }
0x8e: {  	[smem:$0x3FC1] =	sst s2  }
0x8f: {  	_ = 	snop  }
0x90: {  	s2 =	sld [smem:$0x3FD0];
	_ =	sdelay $0x2  }
0x91: {  	s15 =	simm.s32 $0xB;
	s4 =	simm.s32 $0x10  }
0x92: {  	[smem:s4], [sflag:s15] =	dma.local [hbm:s2], $0x1  }
0x93: {  	_ =	swait.eq [sflag:s15], $0x1  }
0x94: {  	[sflag:s15] =	ssyncset.done $0x0  }
0x95: {  	s16 =	sld [smem:$0x14];
	[sflag:s15] =	ssyncadd.s32 $0xFFFFFFFF  }
0x96: {  	s17 =	sld [smem:$0x15];
	(tm) =	ssettm $0x1  }
0x97: {  	s18 =	sld [smem:$0x3FFB];
	_ =	sdelay $0x3  }
0x98: {  	_ =	strace s18  }
0x99: {  	s4 =	sld [smem:$0x3FFC];
	_ =	sdelay $0x3  }
0x9a: {  	_ =	strace s4  }
0x9b: {  	s4 =	sld [smem:$0x3FFD];
	_ =	sdelay $0x3  }
0x9c: {  	_ =	strace s4  }
0x9d: {  	_ =	strace $0x8FFFFFFF  }
0x9e: {  	s19 =	sld [smem:$0x3FDB];
	_ =	sdelay $0x1  }
0x9f: {  	s5 =	simm.s32 $_scs_section_size  }
0xa0: {  	s6 =	simm.s32 $_size__tile_overlayer_lowered;
	s7 =	simm.s32 $_tile_overlayer_lowered  }
0xa1: {  	s22 =	simm.s32 $0x1BFF;
	s21 =	sshll.u32 s7, $0x1;
	s4 =	sadd.s32 s5, s19  }
0xa2: {  	s8 =	simm.s32 $0x0;
	s20 =	sshll.u32 s6, $0x1;
	s6 =	sadd.s32 s21, s4  }
0xa3: {  	[timem:s8], [sflag:s22] =	dma.local [hbm:s6], s20  }
0xa4: {  	_ =	swait.ge [sflag:s22], s20  }
0xa5: {  	s5 =	ssub.s32 $0x0, s20;
	[sflag:s22] =	ssyncset.done $0x0  }
0xa6: {  	[sflag:s22] =	ssyncadd.s32 s5;
	_ =	sdelay $0x1  }
0xa7: {  	s23 =	simm.s32 $0x1B8B  }
0xa8: {  	_ =	swait.ge [sflag:s23], $0x1  }
0xa9: {  	[sflag:s23] =	ssyncset.done $0x0  }
0xaa: {  	s25 =	simm.s32 $0x1B8E;
	s24 =	sld [smem:$0x3FFE];
	[sflag:s23] =	ssyncadd.s32 $0xFFFFFFFF  }
0xab: {  	s26 =	simm.s32 $execute0_lowered;
	[smem:$0x3FD2] =	sst s25  }
0xac: {  	s6 =	sshll.u32 s26, $0x1;
	_ =	strace $0x80000046;
	[dreg:$0x1] =	wrdreg $0xFFFFFFFF  }
0xad: {  	s28 =	simm.s32 $_size_execute0_lowered;
	s4 =	sadd.s32 s4, s6;
	[dreg:$0x0] =	wrdreg $0x0  }
0xae: {  	s6 =	sshll.u32 s28, $0x1;
	[dreg:$0x2] =	wrdreg s4  }
0xaf: {  	[dreg:$0x3] =	wrdreg s6  }
0xb0: {  	[dreg:$0x4] =	wrdreg $0xC0  }
0xb1: {  	_ =	task [dreg:s8], $0x5FFFF  }
0xb2: {  	[dreg:$0x1] =	wrdreg $0xFFFFFFFF  }
0xb3: {  	[dreg:$0x0] =	wrdreg $0x60  }
0xb4: {  	[dreg:$0x2] =	wrdreg s24  }
0xb5: {  	[dreg:$0x3] =	wrdreg s17  }
0xb6: {  	[dreg:$0x4] =	wrdreg s16  }
0xb7: {  	[dreg:$0x5] =	wrdreg $0xA  }
0xb8: {  	_ =	task.clear_ibuf [dreg:s8], $0x6FFFF;
	_ =	strace $0x90000046  }
0xb9: {  	s29 =	simm.s32 $0xA;
	_ =	strace $0x80000048  }
0xba: {  	_ =	swait.ge [sflag:s29], $0x1  }
0xbb: {  	[sflag:s29] =	ssyncadd.s32 $0xFFFFFFFF  }
0xbc: {  	_ =	strace $0x90000048  }
0xbd: {  	_ =	sfence  }
0xbe: {  	s30 =	sld [smem:$0x0];
	_ =	sdelay $0x2  }
0xbf: {  	s31 =	sshll.u32 s1, $0xD;
	s1 =	sshrl.u32 s1, $0x2  }
0xc0: {  	s3 =	sand.u32 $0x4000, s31;
	s1 =	sadd.s32 s1, s30  }
0xc1: {  	s0 =	sor.u32 s3, s0;
	s1 =	sshll.u32 s1, $0x11  }
0xc2: {  	s0 =	sor.u32 s1, s0  }
0xc3: {  	s0 =	sadd.s32 $0x8F2B, s0  }
0xc4: {  	[sflag:s0] =	ssyncadd.remote.s32 $0x1  }
0xc5: {  	_ =	sfence.sel $0xFFFF  }
0xc6: {  	[dreg:$0x0] =	wrdreg $0xFFFFFFFF;
	(pc) =	sbr.abs _section_cstart, $3  }
0xc7: {  	[dreg:$0x1] =	wrdreg $0xFFFFFFFF  }
0xc8: {  	_ =	task.clear_ibuf [dreg:s8], $0x2FFFF;
	_ =	strace $0x9FFFFFFF  }
0xc9: {  	(tm) =	ssettm $0x7FFFFFFF  }
tec
execute0_lowered:
.L_overlay_start_1:
0x0: {  	(tag) =	ssettag $0x1  }
0x1: {  	s1 =	rddreg [dreg:$0x0]  }
0x2: {  	s2 =	srdreg.scid;
	s4 =	rddreg [dreg:$0x1]  }
0x3: {  	s0 =	stileid.u32;
	s8 =	rddreg [dreg:$0x2];
	s6 =	sand.u32 $0x1, s2  }
0x4: {  	s3 =	simm.s32 $0x0;
	s5 =	sshll.u32 s0, $0x9;
	s7 =	sshll.u32 s6, $0x8  }
0x5: {  	[smem:$0x7FF] =	sst s3;
	s9 =	sor.u32 s7, s5  }
0x6: {  	s2 =	rddreg [dreg:$0x3];
	_ =	strace $0x80000047;
	s5 =	sshrl.u32 s9, $0x3  }
0x7: {  	s10 =	ssub.s32 $0x2, s6;
	s5 =	sadd.s32 s4, s5;
	s4 =	simm.s32 $0x2  }
0x8: {  	[tilespmem:s3], [sflag:$0x2] =	stream.linear.gather [hbm4b:s5+s3], $0x100, $0x38;
	[tilespmem:$0x8100] =	vst v63  }
0x9: {  	s11 =	sshrl.u32 s10, $0x1;
	_ =	swait.ge [sflag:s4], $0x100  }
0xa: {  	s6 =	simm.s32 $0x100;
	s10 =	ssub.s32 s10, s11;
	[sflag:s4] =	ssyncset.done $0x0  }
0xb: {  	s7 =	simm.s32 $0x1;
	s31 =	smax.u32 s10, $0x1;
	[sflag:s4] =	ssyncadd.s32 $0xFFFFFF00  }
0xc: {  	[tilespmem:s6], [sflag:$0x1] =	stream.indirect.gather [hbm4b:s1+s6], $0x80, s3, s6, $0xb8;
	[tilespmem:$0x8100] =	vst v63  }
0xd: {  	p0 =	sne.s32 s31, $0x1;
	_ =	swait.ge [sflag:s7], $0x8000  }
.Ltmp0:
0xe: {  	s9 =	sshll.u32 s9, $0x4;
	[sflag:s7] =	ssyncset.done $0x0;
	(pc) =	sbr.rel @!p0 .LBB2_2-.Ltmp0, $4  }
0xf: {  	s8 =	sadd.s32 s8, s9;
	[sflag:s7] =	ssyncadd.s32 $0xFFFF8000  }
0x10: {  	[hbm4b:s8+s3] =	stream.linear.scatter [tilespmem:s6], [sflag:$0x2], $0x8000, $0x38;
	[tilespmem:$0x8100] =	vst v63  }
0x11: {  	_ =	swait.ge [sflag:s4], $0x8000  }
0x12: {  	s9 =	sadd.s32 $0xFFFFFFFF, s31;
	[sflag:s4] =	ssyncset.done $0x0  }
.LBB2_1:
0x13: {  	p0 =	sne.s32 s9, $0x1;
	s9 =	sadd.s32 $0xFFFFFFFF, s9;
	[sflag:s4] =	ssyncadd.s32 $0xFFFF8000  }
0x14: {  	[tilespmem:s3], [sflag:$0x2] =	stream.linear.gather [hbm4b:s5+s3], $0x100, $0x38;
	[tilespmem:$0x8100] =	vst v63  }
0x15: {  	_ =	swait.ge [sflag:s4], $0x100  }
0x16: {  	[sflag:s4] =	ssyncset.done $0x0  }
0x17: {  	[sflag:s4] =	ssyncadd.s32 $0xFFFFFF00  }
0x18: {  	[tilespmem:s6], [sflag:$0x1] =	stream.indirect.gather [hbm4b:s1+s6], $0x80, s3, s6, $0xb8;
	[tilespmem:$0x8100] =	vst v63  }
0x19: {  	_ =	swait.ge [sflag:s7], $0x8000  }
.Ltmp1:
0x1a: {  	[sflag:s7] =	ssyncset.done $0x0;
	(pc) =	sbr.rel @p0 .LBB2_1-.Ltmp1, $4  }
0x1b: {  	[sflag:s7] =	ssyncadd.s32 $0xFFFF8000  }
0x1c: {  	[hbm4b:s8+s3] =	stream.linear.scatter [tilespmem:s6], [sflag:$0x2], $0x8000, $0x38;
	[tilespmem:$0x8100] =	vst v63  }
0x1d: {  	_ =	swait.ge [sflag:s4], $0x8000  }
0x1e: {  	[sflag:s4] =	ssyncset.done $0x0  }
.LBB2_2:
0x1f: {  	[sflag:s4] =	ssyncadd.s32 $0xFFFF8000  }
0x20: {  	_ =	sfence.sel $0x180000  }
0x21: {  	[bflag:$0x0] =	sbarrier.arrive $0xFFFF  }
0x22: {  	p0 =	sne.s32 s0, $0x0;
	_ =	strace $0x90000047  }
0x23: {  	s0 =	sadd.s32 @!p0 $0x100000, s2;
	[bflag:$0x2] =	sbarrier.arrive $0xFFFF  }
0x24: {  	[sflag:s0] =	ssyncadd.tile.s32 @!p0 $0x1;
	_ =	shalt  }
.Lfunc_end2:
_tile_overlayer_lowered:
.L_overlay_start_2:
0x25: {  	(tag) =	ssettag $0x2  }
0x26: {  	s0 =	rddreg [dreg:$0x0];
	s2 =	stileid.u32  }
0x27: {  	s1 =	rddreg [dreg:$0x1];
	p0 =	sne.s32 s2, $0x0  }
0x28: {  	s3 =	rddreg [dreg:$0x2];
	[bflag:$0x3] =	sbarrier.arrive $0xFFFF;
	s2 =	simm.s32 @!p0 $0x1C02  }
0x29: {  	[timem:s3], [sflag:s2] =	dma.local @!p0 [hbm:s0], s1  }
0x2a: {  	s0 =	simm.s32 @!p0 $0x2  }
0x2b: {  	_ =	swait.ge @!p0 [sflag:s0], s1  }
0x2c: {  	s1 =	ssub.s32 @!p0 $0x0, s1;
	[sflag:s0] =	ssyncset.done @!p0 $0x0  }
0x2d: {  	[sflag:s0] =	ssyncadd.s32 @!p0 s1  }
0x2e: {  	[bflag:$0x3] =	sbarrier.arrive $0xFFFF  }
0x2f: {  	_ =	shalt  }

// kernel: kernel.8.cloned.1.call-start
scs
__scs_entry_jumppad:
0x0: {  	(pc) =	sbr.rel $0x88, $3  }
0x1: {  	(tag) =	ssettag $0x0;
	lr =	simm.s32 $0x1  }
0x2: {  	[smem:$0x3F9A] =	sst lr;
	_ =	strace $0xD0000000  }
0x3: {  	_ = 	snop  }
0x4: {  	_ = 	snop  }
0x5: {  	_ = 	snop  }
0x6: {  	_ = 	snop  }
0x7: {  	_ = 	snop  }
__scs_overlays_trampoline_lowered:
0x8: {  	[smem:$0x3FA9] =	sst s0  }
0x9: {  	[smem:$0x3FAA] =	sst s1  }
0xa: {  	[smem:$0x3FAB] =	sst s2  }
0xb: {  	[smem:$0x3FAC] =	sst s3  }
0xc: {  	[smem:$0x3FAD] =	sst s4  }
0xd: {  	[smem:$0x3FAE] =	sst s5  }
0xe: {  	[smem:$0x3FAF] =	sst s6  }
0xf: {  	[smem:$0x3FB0] =	sst s7  }
0x10: {  	[smem:$0x3FB1] =	sst s8  }
0x11: {  	[smem:$0x3FB2] =	sst s9;
	s0 =	simm.s32 @!p0 $0x0  }
0x12: {  	s1 =	sld [smem:$0x3F98];
	s0 =	simm.s32 @p0 $0x1  }
0x13: {  	[smem:$0x3FB3] =	sst s0;
	s0 =	simm.s32 @!p1 $0x0  }
0x14: {  	s2 =	sld [smem:$0x3F97];
	s0 =	simm.s32 @p1 $0x1  }
0x15: {  	[smem:$0x3FB4] =	sst s0;
	s0 =	simm.s32 @!p2 $0x0  }
0x16: {  	s3 =	sld [smem:$0x3FDB];
	s0 =	simm.s32 @p2 $0x1  }
0x17: {  	s4 =	simm.s32 $0x1BF5;
	[smem:$0x3FB6] =	sst s0  }
0x18: {  	s0 =	sld [smem:$0x3F99];
	_ =	swait.ge [sflag:s4], $0x0  }
0x19: {  	s7 =	sld [smem:$0x3F9A]  }
0x1a: {  	s8 =	sadd.s32 $0xFFFFE003, lr  }
0x1b: {  	s9 =	sadd.s32 $0xFFFFFEF7, lr;
	s5 =	simm.s32 $0xFFFFFFFF;
	p2 =	slt.u32 s8, $0xFFFFF086  }
0x1c: {  	p1 =	slt.u32 s9, $0xF7A;
	s5 =	simm.s32 @!p2 $0x0  }
0x1d: {  	s5 =	simm.s32 @p1 $0x1;
	p0 =	seq.s32 s7, s2  }
0x1e: {  	s7 =	smul.u32 @!p0 $0xF7A, s2;
	p2 =	seq.s32 @!p0 s5, $0x0  }
0x1f: {  	s9 =	smul.u32 $0xF7A, s1;
	s8 =	simm.s32 @!p0 $0x1BF5;
	p2 =	por !p2, p0  }
0x20: {  	[sflag:s8] =	ssyncset.s32 @!p0 $0xFFFFF086;
	s6 =	sadd.s32 @!p0 s3, s7;
	s7 =	simm.s32 @!p0 $0x108  }
0x21: {  	s3 =	sadd.s32 s3, s9;
	s6 =	sadd.s32 @!p0 $0x88, s6;
	s7 =	simm.s32 @p2 $0x1082  }
0x22: {  	[simem:s7], [sflag:s8] =	dma.local @!p0 [hbm:s6], $0xF7A  }
0x23: {  	s9 =	sor.u32 $0xD0000000, s2;
	s6 =	simm.s32 $0x108;
	_ =	swait.ge @!p0 [sflag:s8], $0x0  }
0x24: {  	s3 =	sadd.s32 $0x88, s3;
	s6 =	simm.s32 @!p1 $0x1082;
	[sflag:s4] =	ssyncset.s32 $0xFFFFF086  }
0x25: {  	[simem:s6], [sflag:s4] =	dma.local [hbm:s3], $0xF7A  }
0x26: {  	[smem:$0x3F9A] =	sst s1;
	(tag) =	ssettag s2;
	_ =	strace s9  }
0x27: {  	s1 =	sld [smem:$0x3FAA]  }
0x28: {  	s2 =	sld [smem:$0x3FAB]  }
0x29: {  	s4 =	sld [smem:$0x3FAD]  }
0x2a: {  	p0 =	seq.s32 s5, $0x0;
	s5 =	sld [smem:$0x3FAE]  }
0x2b: {  	s6 =	sld [smem:$0x3FAF]  }
0x2c: {  	s7 =	sld [smem:$0x3FB0]  }
0x2d: {  	s3 =	simm.s32 $0x108;
	s8 =	sld [smem:$0x3FB1]  }
0x2e: {  	s3 =	simm.s32 @!p0 $0x1082;
	s9 =	sld [smem:$0x3FB2]  }
0x2f: {  	lr =	sadd.s32 s0, s3;
	s0 =	sld [smem:$0x3FA9]  }
0x30: {  	s3 =	sld [smem:$0x3FAC]  }
0x31: {  	[smem:$0x3FB5] =	sst s10  }
0x32: {  	s10 =	sld [smem:$0x3FB3];
	_ =	sdelay $0x3  }
0x33: {  	p0 =	seq.s32 s10, $0x1;
	s10 =	sld [smem:$0x3FB5];
	_ =	sdelay $0x3  }
0x34: {  	[smem:$0x3FB5] =	sst s10  }
0x35: {  	s10 =	sld [smem:$0x3FB4];
	_ =	sdelay $0x3  }
0x36: {  	p1 =	seq.s32 s10, $0x1;
	s10 =	sld [smem:$0x3FB5];
	_ =	sdelay $0x3  }
0x37: {  	[smem:$0x3FB5] =	sst s10  }
0x38: {  	s10 =	sld [smem:$0x3FB6]  }
0x39: {  	_ = 	snop;
	(pc) =	sbr.ind lr, $3  }
0x3a: {  	_ = 	snop  }
0x3b: {  	_ = 	snop  }
0x3c: {  	p2 =	seq.s32 s10, $0x1;
	s10 =	sld [smem:$0x3FB5]  }
0x3d: {  	_ =	shalt  }
0x3e: {  	_ =	shalt  }
0x3f: {  	_ =	shalt  }
0x40: {  	_ =	shalt  }
0x41: {  	_ =	shalt  }
0x42: {  	_ =	shalt  }
0x43: {  	_ =	shalt  }
0x44: {  	_ =	shalt  }
0x45: {  	_ =	shalt  }
0x46: {  	_ =	shalt  }
0x47: {  	_ =	shalt  }
0x48: {  	_ =	shalt  }
0x49: {  	_ =	shalt  }
0x4a: {  	_ =	shalt  }
0x4b: {  	_ =	shalt  }
0x4c: {  	_ =	shalt  }
0x4d: {  	_ =	shalt  }
0x4e: {  	_ =	shalt  }
0x4f: {  	_ =	shalt  }
0x50: {  	_ =	shalt  }
0x51: {  	_ =	shalt  }
0x52: {  	_ =	shalt  }
0x53: {  	_ =	shalt  }
0x54: {  	_ =	shalt  }
0x55: {  	_ =	shalt  }
0x56: {  	_ =	shalt  }
0x57: {  	_ =	shalt  }
0x58: {  	_ =	shalt  }
0x59: {  	_ =	shalt  }
0x5a: {  	_ =	shalt  }
0x5b: {  	_ =	shalt  }
0x5c: {  	_ =	shalt  }
0x5d: {  	_ =	shalt  }
0x5e: {  	_ =	shalt  }
0x5f: {  	_ =	shalt  }
0x60: {  	_ =	shalt  }
0x61: {  	_ =	shalt  }
0x62: {  	_ =	shalt  }
0x63: {  	_ =	shalt  }
0x64: {  	_ =	shalt  }
0x65: {  	_ =	shalt  }
0x66: {  	_ =	shalt  }
0x67: {  	_ =	shalt  }
0x68: {  	_ =	shalt  }
0x69: {  	_ =	shalt  }
0x6a: {  	_ =	shalt  }
0x6b: {  	_ =	shalt  }
0x6c: {  	_ =	shalt  }
0x6d: {  	_ =	shalt  }
0x6e: {  	_ =	shalt  }
0x6f: {  	_ =	shalt  }
0x70: {  	_ =	shalt  }
0x71: {  	_ =	shalt  }
0x72: {  	_ =	shalt  }
0x73: {  	_ =	shalt  }
0x74: {  	_ =	shalt  }
0x75: {  	_ =	shalt  }
0x76: {  	_ =	shalt  }
0x77: {  	_ =	shalt  }
0x78: {  	_ =	shalt  }
0x79: {  	_ =	shalt  }
0x7a: {  	_ =	shalt  }
0x7b: {  	_ =	shalt  }
0x7c: {  	_ =	shalt  }
0x7d: {  	_ =	shalt  }
0x7e: {  	_ =	shalt  }
0x7f: {  	_ =	shalt  }
0x80: {  	_ =	shalt  }
0x81: {  	_ =	shalt  }
0x82: {  	_ =	shalt  }
0x83: {  	_ =	shalt  }
0x84: {  	_ =	shalt  }
0x85: {  	_ =	shalt  }
0x86: {  	_ =	shalt  }
0x87: {  	_ =	shalt  }
.Lfunc_end0:
.L_simem_size_0:
called_computation_lowered:
.L_overlay_start_0:
0x88: {  	s2 =	sld [smem:$0x3FD9]  }
0x89: {  	s3 =	sld [smem:$0x3FFE];
	_ =	sdelay $0x1  }
0x8a: {  	s1 =	srdreg.scid  }
0x8b: {  	s0 =	sand.u32 $0x1, s1  }
0x8c: {  	s15 =	sshll.u32 s0, $0xA;
	s2 =	sadd.s32 s3, s2  }
0x8d: {  	s2 =	sadd.s32 s2, s15  }
0x8e: {  	[smem:$0x3FC1] =	sst s2  }
0x8f: {  	_ = 	snop  }
0x90: {  	s2 =	sld [smem:$0x3FD0];
	_ =	sdelay $0x2  }
0x91: {  	s4 =	simm.s32 $0xB;
	s16 =	simm.s32 $0x10  }
0x92: {  	[smem:s16], [sflag:s4] =	dma.local [hbm:s2], $0x1  }
0x93: {  	_ =	swait.eq [sflag:s4], $0x1  }
0x94: {  	[sflag:s4] =	ssyncset.done $0x0  }
0x95: {  	s17 =	sld [smem:$0x10];
	[sflag:s4] =	ssyncadd.s32 $0xFFFFFFFF  }
0x96: {  	s18 =	sld [smem:$0x11];
	(tm) =	ssettm $0x1  }
0x97: {  	s19 =	sld [smem:$0x3FFB];
	_ =	sdelay $0x3  }
0x98: {  	_ =	strace s19  }
0x99: {  	s2 =	sld [smem:$0x3FFC];
	_ =	sdelay $0x3  }
0x9a: {  	_ =	strace s2  }
0x9b: {  	s2 =	sld [smem:$0x3FFD];
	_ =	sdelay $0x3  }
0x9c: {  	_ =	strace s2  }
0x9d: {  	_ =	strace $0x8FFFFFFF  }
0x9e: {  	s20 =	sld [smem:$0x3FDB];
	_ =	sdelay $0x1  }
0x9f: {  	s5 =	simm.s32 $_scs_section_size  }
0xa0: {  	s6 =	simm.s32 $_size__tile_overlayer_lowered;
	s7 =	simm.s32 $_tile_overlayer_lowered  }
0xa1: {  	s8 =	simm.s32 $0x1BFF;
	s21 =	sshll.u32 s7, $0x1;
	s5 =	sadd.s32 s5, s20  }
0xa2: {  	s22 =	simm.s32 $0x0;
	s6 =	sshll.u32 s6, $0x1;
	s7 =	sadd.s32 s21, s5  }
0xa3: {  	[timem:s22], [sflag:s8] =	dma.local [hbm:s7], s6  }
0xa4: {  	_ =	swait.ge [sflag:s8], s6  }
0xa5: {  	s6 =	ssub.s32 $0x0, s6;
	[sflag:s8] =	ssyncset.done $0x0  }
0xa6: {  	[sflag:s8] =	ssyncadd.s32 s6;
	_ =	sdelay $0x1  }
0xa7: {  	s23 =	simm.s32 $0x1B8B  }
0xa8: {  	_ =	swait.ge [sflag:s23], $0x1  }
0xa9: {  	[sflag:s23] =	ssyncset.done $0x0  }
0xaa: {  	[sflag:s23] =	ssyncadd.s32 $0xFFFFFFFF  }
0xab: {  	s6 =	sld [smem:$0x0]  }
0xac: {  	s7 =	sand.u32 $0xFFFFFFFE, s1  }
0xad: {  	p0 =	sne.s32 s1, s7  }
0xae: {  	s7 =	sshll.u32 @p0 s7, $0xE  }
0xaf: {  	s7 =	sadd.s32 @p0 $0x11B8D, s7;
	s8 =	sshll.u32 @p0 s6, $0x11  }
0xb0: {  	s7 =	sor.u32 @p0 s8, s7  }
0xb1: {  	[sflag:s7] =	ssyncadd.remote.s32 @p0 $0x1;
	_ =	sdelay $0x1  }
0xb2: {  	s7 =	simm.s32 @p0 $0x1B8D  }
0xb3: {  	_ =	swait.eq @p0 [sflag:s7], $0x1  }
0xb4: {  	[sflag:s7] =	ssyncadd.s32 @p0 $0xFFFFFFFF  }
0xb5: {  	s8 =	sshll.u32 @!p0 s1, $0xE  }
0xb6: {  	s8 =	sor.u32 @!p0 $0x4000, s8;
	s7 =	simm.s32 @!p0 $0x1B8D  }
0xb7: {  	s6 =	sshll.u32 @!p0 s6, $0x11;
	s8 =	sadd.s32 @!p0 $0x11B8D, s8;
	_ =	swait.eq @!p0 [sflag:s7], $0x1  }
0xb8: {  	s6 =	sor.u32 @!p0 s6, s8;
	[sflag:s7] =	ssyncadd.s32 @!p0 $0xFFFFFFFF  }
0xb9: {  	s25 =	simm.s32 $0x1B8E;
	s24 =	sld [smem:$0x3FFE];
	[sflag:s6] =	ssyncadd.remote.s32 @!p0 $0x1  }
0xba: {  	s26 =	simm.s32 $execute0_lowered;
	[smem:$0x3FD2] =	sst s25  }
0xbb: {  	s7 =	sshll.u32 s26, $0x1;
	_ =	strace $0x80000049;
	[dreg:$0x1] =	wrdreg $0xFFFFFFFF  }
0xbc: {  	s28 =	simm.s32 $_size_execute0_lowered;
	s5 =	sadd.s32 s5, s7;
	[dreg:$0x0] =	wrdreg $0x0  }
0xbd: {  	s7 =	sshll.u32 s28, $0x1;
	[dreg:$0x2] =	wrdreg s5  }
0xbe: {  	[dreg:$0x3] =	wrdreg s7  }
0xbf: {  	[dreg:$0x4] =	wrdreg $0xC0  }
0xc0: {  	_ =	task [dreg:s22], $0x5FFFF  }
0xc1: {  	[dreg:$0x1] =	wrdreg $0xFFFFFFFF  }
0xc2: {  	[dreg:$0x0] =	wrdreg $0x60  }
0xc3: {  	[dreg:$0x2] =	wrdreg s24  }
0xc4: {  	[dreg:$0x3] =	wrdreg s18  }
0xc5: {  	[dreg:$0x4] =	wrdreg s17  }
0xc6: {  	[dreg:$0x5] =	wrdreg $0x9  }
0xc7: {  	_ =	task.clear_ibuf [dreg:s22], $0x6FFFF;
	_ =	strace $0x90000049  }
0xc8: {  	s29 =	simm.s32 $0x9;
	_ =	strace $0x8000004B  }
0xc9: {  	_ =	swait.ge [sflag:s29], $0x1  }
0xca: {  	[sflag:s29] =	ssyncadd.s32 $0xFFFFFFFF  }
0xcb: {  	_ =	strace $0x9000004B  }
0xcc: {  	_ =	sfence  }
0xcd: {  	s30 =	sld [smem:$0x0];
	_ =	sdelay $0x2  }
0xce: {  	s31 =	sshll.u32 s1, $0xD;
	s1 =	sshrl.u32 s1, $0x2  }
0xcf: {  	s4 =	sand.u32 $0x4000, s31;
	s1 =	sadd.s32 s1, s30  }
0xd0: {  	s0 =	sor.u32 s4, s0;
	s1 =	sshll.u32 s1, $0x11  }
0xd1: {  	s0 =	sor.u32 s1, s0  }
0xd2: {  	s0 =	sadd.s32 $0x8F2B, s0  }
0xd3: {  	[sflag:s0] =	ssyncadd.remote.s32 $0x1  }
0xd4: {  	_ =	sfence.sel $0xFFFF  }
0xd5: {  	[dreg:$0x0] =	wrdreg $0xFFFFFFFF;
	(pc) =	sbr.abs _section_cstart, $3  }
0xd6: {  	[dreg:$0x1] =	wrdreg $0xFFFFFFFF  }
0xd7: {  	_ =	task.clear_ibuf [dreg:s22], $0x2FFFF;
	_ =	strace $0x9FFFFFFF  }
0xd8: {  	(tm) =	ssettm $0x7FFFFFFF  }
0xd9: {  	_ =	shalt  }
tec
execute0_lowered:
.L_overlay_start_1:
0x0: {  	(tag) =	ssettag $0x1  }
0x1: {  	s5 =	rddreg [dreg:$0x0]  }
0x2: {  	s1 =	srdreg.scid;
	s3 =	rddreg [dreg:$0x1]  }
0x3: {  	s0 =	stileid.u32;
	s8 =	rddreg [dreg:$0x2];
	s6 =	sand.u32 $0x1, s1  }
0x4: {  	s2 =	simm.s32 $0x0;
	s4 =	sshll.u32 s0, $0x9;
	s7 =	sshll.u32 s6, $0x8  }
0x5: {  	[smem:$0x7FF] =	sst s2;
	s9 =	sor.u32 s7, s4  }
0x6: {  	s1 =	rddreg [dreg:$0x3];
	_ =	strace $0x8000004A;
	s4 =	sshrl.u32 s9, $0x3  }
0x7: {  	s10 =	ssub.s32 $0x2, s6;
	s4 =	sadd.s32 s3, s4;
	s3 =	simm.s32 $0x2  }
0x8: {  	[tilespmem:s2], [sflag:$0x2] =	stream.linear.gather [hbm4b:s4+s2], $0x100, $0x38;
	[tilespmem:$0x8100] =	vst v63  }
0x9: {  	s5 =	sadd.s32 $0x186A00, s5;
	s11 =	sshrl.u32 s10, $0x1;
	_ =	swait.ge [sflag:s3], $0x100  }
0xa: {  	s6 =	simm.s32 $0x100;
	s10 =	ssub.s32 s10, s11;
	[sflag:s3] =	ssyncset.done $0x0  }
0xb: {  	s7 =	simm.s32 $0x1;
	s31 =	smax.u32 s10, $0x1;
	[sflag:s3] =	ssyncadd.s32 $0xFFFFFF00  }
0xc: {  	[tilespmem:s6], [sflag:$0x1] =	stream.indirect.gather [hbm4b:s5+s6], $0x80, s2, s6, $0xb8;
	[tilespmem:$0x8100] =	vst v63  }
0xd: {  	p0 =	sne.s32 s31, $0x1;
	_ =	swait.ge [sflag:s7], $0x8000  }
.Ltmp0:
0xe: {  	s9 =	sshll.u32 s9, $0x4;
	[sflag:s7] =	ssyncset.done $0x0;
	(pc) =	sbr.rel @!p0 .LBB2_2-.Ltmp0, $4  }
0xf: {  	s8 =	sadd.s32 s8, s9;
	[sflag:s7] =	ssyncadd.s32 $0xFFFF8000  }
0x10: {  	[hbm4b:s8+s2] =	stream.linear.scatter [tilespmem:s6], [sflag:$0x2], $0x8000, $0x38;
	[tilespmem:$0x8100] =	vst v63  }
0x11: {  	_ =	swait.ge [sflag:s3], $0x8000  }
0x12: {  	s9 =	sadd.s32 $0xFFFFFFFF, s31;
	[sflag:s3] =	ssyncset.done $0x0  }
.LBB2_1:
0x13: {  	p0 =	sne.s32 s9, $0x1;
	s9 =	sadd.s32 $0xFFFFFFFF, s9;
	[sflag:s3] =	ssyncadd.s32 $0xFFFF8000  }
0x14: {  	[tilespmem:s2], [sflag:$0x2] =	stream.linear.gather [hbm4b:s4+s2], $0x100, $0x38;
	[tilespmem:$0x8100] =	vst v63  }
0x15: {  	_ =	swait.ge [sflag:s3], $0x100  }
0x16: {  	[sflag:s3] =	ssyncset.done $0x0  }
0x17: {  	[sflag:s3] =	ssyncadd.s32 $0xFFFFFF00  }
0x18: {  	[tilespmem:s6], [sflag:$0x1] =	stream.indirect.gather [hbm4b:s5+s6], $0x80, s2, s6, $0xb8;
	[tilespmem:$0x8100] =	vst v63  }
0x19: {  	_ =	swait.ge [sflag:s7], $0x8000  }
.Ltmp1:
0x1a: {  	[sflag:s7] =	ssyncset.done $0x0;
	(pc) =	sbr.rel @p0 .LBB2_1-.Ltmp1, $4  }
0x1b: {  	[sflag:s7] =	ssyncadd.s32 $0xFFFF8000  }
0x1c: {  	[hbm4b:s8+s2] =	stream.linear.scatter [tilespmem:s6], [sflag:$0x2], $0x8000, $0x38;
	[tilespmem:$0x8100] =	vst v63  }
0x1d: {  	_ =	swait.ge [sflag:s3], $0x8000  }
0x1e: {  	[sflag:s3] =	ssyncset.done $0x0  }
.LBB2_2:
0x1f: {  	[sflag:s3] =	ssyncadd.s32 $0xFFFF8000  }
0x20: {  	_ =	sfence.sel $0x180000  }
0x21: {  	[bflag:$0x0] =	sbarrier.arrive $0xFFFF  }
0x22: {  	p0 =	sne.s32 s0, $0x0;
	_ =	strace $0x9000004A  }
0x23: {  	s0 =	sadd.s32 @!p0 $0x100000, s1;
	[bflag:$0x2] =	sbarrier.arrive $0xFFFF  }
0x24: {  	[sflag:s0] =	ssyncadd.tile.s32 @!p0 $0x1;
	_ =	shalt  }
.Lfunc_end2:
_tile_overlayer_lowered:
.L_overlay_start_2:
0x25: {  	(tag) =	ssettag $0x2  }
0x26: {  	s0 =	rddreg [dreg:$0x0];
	s2 =	stileid.u32  }
0x27: {  	s1 =	rddreg [dreg:$0x1];
	p0 =	sne.s32 s2, $0x0  }
0x28: {  	s3 =	rddreg [dreg:$0x2];
	[bflag:$0x3] =	sbarrier.arrive $0xFFFF;
	s2 =	simm.s32 @!p0 $0x1C02  }
0x29: {  	[timem:s3], [sflag:s2] =	dma.local @!p0 [hbm:s0], s1  }
0x2a: {  	s0 =	simm.s32 @!p0 $0x2  }
0x2b: {  	_ =	swait.ge @!p0 [sflag:s0], s1  }
0x2c: {  	s1 =	ssub.s32 @!p0 $0x0, s1;
	[sflag:s0] =	ssyncset.done @!p0 $0x0  }
0x2d: {  	[sflag:s0] =	ssyncadd.s32 @!p0 s1  }
0x2e: {  	[bflag:$0x3] =	sbarrier.arrive $0xFFFF  }
0x2f: {  	_ =	shalt  }

</sc_bundles>
